<compile_context>
chip_gen: v7x
topology: tpu7x:2x2x1
jax: 0.10.2.dev20260603
libtpu: 0.0.44.dev20260713+nightly
codegen_flags: <defaults>
</compile_context>

<pallas_src>
import functools

import jax
import jax.numpy as jnp
from jax import lax
from jax.experimental import pallas as pl
from jax.experimental.pallas import tpu as pltpu, tpu_sc as plsc

N = 10000
E = 320000
DIN = 128
H = 32
WC = 48
G = 64
C = 2

NW = 32
CE = 128
NCH = 80
EPAD = NW * NCH * CE - E
NP = 10112
RPT = NP // 16
DUMMY = 10016

_f32 = jnp.float32


def _sc_body(width, y_hbm, src_hbm, dst_hbm, z_hbm, part_hbm,
             src_v, dst_v, rows_v, sem, acc):
    del width
    c = lax.axis_index("c")
    s = lax.axis_index("s")
    wid = s * 2 + c
    r0 = s * RPT
    pltpu.sync_copy(z_hbm.at[pl.ds(r0, RPT)], acc.at[pl.ds(r0, RPT)])
    pltpu.sync_copy(src_hbm.at[wid], src_v)
    pltpu.sync_copy(dst_hbm.at[wid], dst_v)
    plsc.subcore_barrier()

    def step(j, carry):
        pltpu.async_copy(y_hbm.at[src_v.at[j]], rows_v, sem).wait()
        pltpu.sync_copy(rows_v, acc.at[dst_v.at[j]], add=True)
        return carry

    lax.fori_loop(0, NCH, step, 0)
    plsc.subcore_barrier()
    pltpu.sync_copy(acc.at[pl.ds(r0, RPT)], part_hbm.at[c, pl.ds(r0, RPT)])


def _make_sc(width):
    mesh = plsc.VectorSubcoreMesh(core_axis_name="c", subcore_axis_name="s")
    out_type = jax.ShapeDtypeStruct((2, NP, width), _f32)
    scratch = [
        pltpu.VMEM((NCH, CE), jnp.int32),
        pltpu.VMEM((NCH, CE), jnp.int32),
        pltpu.VMEM((CE, width), _f32),
        pltpu.SemaphoreType.DMA,
        pltpu.VMEM_SHARED((NP, width), _f32),
    ]
    return pl.kernel(functools.partial(_sc_body, width),
                     out_type=out_type, mesh=mesh, scratch_types=scratch,
                     compiler_params=pltpu.CompilerParams(
                         use_tc_tiling_on_sc=False))


_sc_agg_w = _make_sc(WC)
_sc_agg = _make_sc(H)


def _tc_first_body(x_ref, wl_ref, wr_ref, y_ref, xr_ref):
    xv = x_ref[...]
    dn = (((1,), (1,)), ((), ()))
    y1 = lax.dot_general(xv, wl_ref[...], dn, preferred_element_type=_f32)
    ones = jnp.ones((NP, 1), _f32)
    zeros = jnp.zeros((NP, WC - H - 1), _f32)
    y_ref[...] = jnp.concatenate([y1, ones, zeros], axis=1)
    xr_ref[...] = lax.dot_general(xv, wr_ref[...], dn, preferred_element_type=_f32)


_tc_first = pl.pallas_call(
    _tc_first_body,
    out_shape=[jax.ShapeDtypeStruct((NP, WC), _f32),
               jax.ShapeDtypeStruct((NP, H), _f32)],
)


def _elu(h):
    return jnp.where(h > 0, h, jnp.exp(jnp.minimum(h, 0.0)) - 1.0)


def _tc_mid1_body(part_ref, xr_ref, b_ref, wl_ref, wr_ref,
                  y_ref, xr2_ref, cnt_ref):
    p = part_ref[...]
    a = p[0] + p[1]
    cnt = jnp.maximum(a[:, H:H + 1], 1.0)
    h = _elu(a[:, :H] / cnt + b_ref[...] + xr_ref[...])
    dn = (((1,), (1,)), ((), ()))
    y_ref[...] = lax.dot_general(h, wl_ref[...], dn, preferred_element_type=_f32)
    xr2_ref[...] = lax.dot_general(h, wr_ref[...], dn, preferred_element_type=_f32)
    cnt_ref[...] = cnt


_tc_mid1 = pl.pallas_call(
    _tc_mid1_body,
    out_shape=[jax.ShapeDtypeStruct((NP, H), _f32),
               jax.ShapeDtypeStruct((NP, H), _f32),
               jax.ShapeDtypeStruct((NP, 1), _f32)],
)


def _tc_mid2_body(part_ref, cnt_ref, xr_ref, b_ref, wl_ref, wr_ref,
                  y_ref, xr2_ref):
    p = part_ref[...]
    h = _elu((p[0] + p[1]) / cnt_ref[...] + b_ref[...] + xr_ref[...])
    dn = (((1,), (1,)), ((), ()))
    y_ref[...] = lax.dot_general(h, wl_ref[...], dn, preferred_element_type=_f32)
    xr2_ref[...] = lax.dot_general(h, wr_ref[...], dn, preferred_element_type=_f32)


_tc_mid2 = pl.pallas_call(
    _tc_mid2_body,
    out_shape=[jax.ShapeDtypeStruct((NP, H), _f32),
               jax.ShapeDtypeStruct((NP, H), _f32)],
)


def _tc_last_body(part_ref, cnt_ref, xr_ref, b_ref, batch_ref, wlin_ref,
                  blin_ref, out_ref):
    p = part_ref[...]
    h = _elu((p[0] + p[1]) / cnt_ref[...] + b_ref[...] + xr_ref[...])
    bt = batch_ref[...]
    oh = (bt == lax.broadcasted_iota(jnp.int32, (1, G), 1)).astype(_f32)
    h_aug = jnp.concatenate([h, jnp.ones((NP, 1), _f32)], axis=1)
    psum = lax.dot_general(oh, h_aug, (((0,), (0,)), ((), ())),
                           preferred_element_type=_f32)
    pooled = psum[:, :H] / jnp.maximum(psum[:, H:H + 1], 1.0)
    logits = lax.dot_general(pooled, wlin_ref[...], (((1,), (1,)), ((), ())),
                             preferred_element_type=_f32) + blin_ref[...]
    m = jnp.max(logits, axis=1, keepdims=True)
    lse = m + jnp.log(jnp.sum(jnp.exp(logits - m), axis=1, keepdims=True))
    out_ref[...] = logits - lse


_tc_last = pl.pallas_call(
    _tc_last_body,
    out_shape=jax.ShapeDtypeStruct((G, C), _f32),
)


def kernel(x, edge_index, edge_attr, batch, W1l, b1l, W1r, W2l, b2l, W2r,
           W3l, b3l, W3r, Wlin, blin):
    del edge_attr
    x_pad = jnp.pad(x, ((0, NP - N), (0, 0)))
    src = jnp.concatenate([edge_index[0], jnp.zeros((EPAD,), jnp.int32)])
    dst = jnp.concatenate([edge_index[1], jnp.full((EPAD,), DUMMY, jnp.int32)])
    src_p = src.reshape(NW, NCH, CE)
    dst_p = dst.reshape(NW, NCH, CE)
    zw = jnp.zeros((NP, WC), _f32)
    zh = jnp.zeros((NP, H), _f32)
    batch_p = jnp.pad(batch, (0, NP - N), constant_values=G).reshape(NP, 1)

    y1, xr1 = _tc_first(x_pad, W1l, W1r)
    part1 = _sc_agg_w(y1, src_p, dst_p, zw)
    y2, xr2, cnt = _tc_mid1(part1, xr1, b1l.reshape(1, H), W2l, W2r)
    part2 = _sc_agg(y2, src_p, dst_p, zh)
    y3, xr3 = _tc_mid2(part2, cnt, xr2, b2l.reshape(1, H), W3l, W3r)
    part3 = _sc_agg(y3, src_p, dst_p, zh)
    return _tc_last(part3, cnt, xr3, b3l.reshape(1, H), batch_p, Wlin,
                    blin.reshape(1, C))

# --- scband reference (transcript-rebuilt; emitter-appended) ---
"""Pipeline reference for scband-graph-sage-12661563588775 (READ-ONLY COPY).

The authoritative reference and input builder live on the scoring server;
editing this copy changes nothing except your own understanding.
"""

import jax, jax.numpy as jnp
import numpy as np

N = 10000
E = 320000
DIN = 128
H = 32
C = 2
G = 64
D_EDGE = 4


def setup_inputs(seed: int = 0) -> dict:
    key = jax.random.key(seed)
    ks = jax.random.split(key, 16)
    x = jax.random.normal(ks[0], (N, DIN), dtype=jnp.float32)
    edge_index = jax.random.randint(ks[1], (2, E), 0, N, dtype=jnp.int32)
    edge_attr = jax.random.normal(ks[2], (E, D_EDGE), dtype=jnp.float32)
    batch = jnp.sort(jax.random.randint(ks[3], (N,), 0, G, dtype=jnp.int32))
    def lin(k, fan_out, fan_in):
        s = 1.0 / np.sqrt(fan_in)
        return jax.random.uniform(k, (fan_out, fan_in), jnp.float32, -s, s)
    W1l = lin(ks[4], H, DIN); b1l = jnp.zeros((H,), jnp.float32); W1r = lin(ks[5], H, DIN)
    W2l = lin(ks[6], H, H);   b2l = jnp.zeros((H,), jnp.float32); W2r = lin(ks[7], H, H)
    W3l = lin(ks[8], H, H);   b3l = jnp.zeros((H,), jnp.float32); W3r = lin(ks[9], H, H)
    Wlin = lin(ks[10], C, H); blin = jnp.zeros((C,), jnp.float32)
    return {"x": x, "edge_index": edge_index, "edge_attr": edge_attr, "batch": batch,
            "W1l": W1l, "b1l": b1l, "W1r": W1r,
            "W2l": W2l, "b2l": b2l, "W2r": W2r,
            "W3l": W3l, "b3l": b3l, "W3r": W3r,
            "Wlin": Wlin, "blin": blin}


def _sage_conv(x, edge_index, Wl, bl, Wr):
    # PyG SAGEConv (aggr='mean'): out = lin_l(mean_{j in N(i)} x_j) + lin_r(x_i)
    src = edge_index[0]
    dst = edge_index[1]
    msg = jnp.take(x, src, axis=0)                      # gather x_j  [E, d]
    agg = jax.ops.segment_sum(msg, dst, num_segments=N)  # scatter-add to dst
    cnt = jax.ops.segment_sum(jnp.ones((edge_index.shape[1],), x.dtype), dst, num_segments=N)
    mean = agg / jnp.maximum(cnt, 1.0)[:, None]
    return mean @ Wl.T + bl + x @ Wr.T


def reference(x, edge_index, edge_attr, batch, W1l, b1l, W1r, W2l, b2l, W2r, W3l, b3l, W3r, Wlin, blin):
    # Dropout is identity in eval mode (training=False)
    h = _sage_conv(x, edge_index, W1l, b1l, W1r)
    h = jax.nn.elu(h)
    h = _sage_conv(h, edge_index, W2l, b2l, W2r)
    h = jax.nn.elu(h)
    h = _sage_conv(h, edge_index, W3l, b3l, W3r)
    h = jax.nn.elu(h)
    # global_mean_pool over graph assignment `batch`
    sums = jax.ops.segment_sum(h, batch, num_segments=G)
    cnts = jax.ops.segment_sum(jnp.ones((N,), h.dtype), batch, num_segments=G)
    pooled = sums / jnp.maximum(cnts, 1.0)[:, None]
    logits = pooled @ Wlin.T + blin
    return jax.nn.log_softmax(logits, axis=1)

if __name__ == "__main__":
    import jax
    _d = setup_inputs()
    print(jax.jit(kernel)(*tuple(_d.values())))

</pallas_src>

<mosaic_0001>
#map = affine_map<(d0, d1) -> (0, 0)>
#map1 = affine_map<(d0, d1) -> (0, 0, 0)>
module attributes {stable_mosaic.version = 14 : i64} {
  func.func @_sc_body(%arg0: i32, %arg1: i32, %arg2: memref<10112x48xf32, #tpu.memory_space<hbm>>, %arg3: memref<32x80x128xi32, #tpu.memory_space<hbm>>, %arg4: memref<32x80x128xi32, #tpu.memory_space<hbm>>, %arg5: memref<10112x48xf32, #tpu.memory_space<hbm>>, %arg6: memref<2x10112x48xf32, #tpu.memory_space<hbm>>, %arg7: memref<80x128xi32, #tpu.memory_space<vmem>>, %arg8: memref<80x128xi32, #tpu.memory_space<vmem>>, %arg9: memref<128x48xf32, #tpu.memory_space<vmem>>, %arg10: memref<!tpu.dma_semaphore, #tpu.memory_space<semaphore_mem>>, %arg11: memref<10112x48xf32, #tpu.memory_space<vmem_shared>>) attributes {dimension_semantics = [#tpu.dimension_semantics<core_parallel>, #tpu.dimension_semantics<subcore_parallel>], iteration_bounds = array<i64: 2, 16>, scalar_prefetch = 0 : i64, scratch_operands = 5 : i64, tpu.core_type = #tpu.core_type<sc_vector_subcore>, window_params = [{transform_indices = #map}, {transform_indices = #map1}, {transform_indices = #map1}, {transform_indices = #map}, {transform_indices = #map1}]} {
    %mul3A = arith.constant 2 : i32
    %mul3A_0 = arith.muli %arg1, %mul3A : i32
    %add3A = arith.addi %mul3A_0, %arg0 : i32
    %mul3A_1 = arith.constant 632 : i32
    %mul3A_2 = arith.muli %arg1, %mul3A_1 : i32
    "tpu.region"() ({
      %run_scoped3A = tpu.sem_alloc : memref<!tpu.dma_semaphore, #tpu.memory_space<semaphore_mem>>
      %dma_start3A = arith.constant 0 : i32
      %dma_start3A_9 = tpu.memref_slice %arg11[%mul3A_2, %dma_start3A] : memref<10112x48xf32, #tpu.memory_space<vmem_shared>> -> memref<632x48xf32, #tpu.memory_space<vmem_shared>>
      %dma_start3A_10 = arith.constant 0 : i32
      %dma_start3A_11 = tpu.memref_slice %arg5[%mul3A_2, %dma_start3A_10] : memref<10112x48xf32, #tpu.memory_space<hbm>> -> memref<632x48xf32, #tpu.memory_space<hbm>>
      tpu.enqueue_dma source(%dma_start3A_11 : memref<632x48xf32, #tpu.memory_space<hbm>>) target(%dma_start3A_9 : memref<632x48xf32, #tpu.memory_space<vmem_shared>>) target_semaphore(%run_scoped3A : memref<!tpu.dma_semaphore, #tpu.memory_space<semaphore_mem>>)
      %dma_wait3A = arith.constant 0 : i32
      %dma_wait3A_12 = tpu.memref_slice %arg11[%mul3A_2, %dma_wait3A] : memref<10112x48xf32, #tpu.memory_space<vmem_shared>> -> memref<632x48xf32, #tpu.memory_space<vmem_shared>>
      %dma_wait3A_13 = arith.constant 0 : i32
      %dma_wait3A_14 = tpu.memref_slice %arg5[%mul3A_2, %dma_wait3A_13] : memref<10112x48xf32, #tpu.memory_space<hbm>> -> memref<632x48xf32, #tpu.memory_space<hbm>>
      tpu.wait_dma2 semaphore(%run_scoped3A : memref<!tpu.dma_semaphore, #tpu.memory_space<semaphore_mem>>) src(%dma_wait3A_14 : memref<632x48xf32, #tpu.memory_space<hbm>>) dst(%dma_wait3A_12 : memref<632x48xf32, #tpu.memory_space<vmem_shared>>)
      tpu.yield
    }) : () -> ()
    "tpu.region"() ({
      %run_scoped3A = tpu.sem_alloc : memref<!tpu.dma_semaphore, #tpu.memory_space<semaphore_mem>>
      %dma_start3A = arith.constant 0 : i32
      %dma_start3A_9 = arith.constant 0 : i32
      %dma_start3A_10 = tpu.memref_slice %arg3[%add3A, %dma_start3A, %dma_start3A_9] : memref<32x80x128xi32, #tpu.memory_space<hbm>> -> memref<1x80x128xi32, #tpu.memory_space<hbm>>
      %dma_start3A_11 = tpu.memref_squeeze %dma_start3A_10 : memref<1x80x128xi32, #tpu.memory_space<hbm>> -> memref<80x128xi32, #tpu.memory_space<hbm>>
      %dma_start3A_12 = arith.constant 0 : i32
      %dma_start3A_13 = arith.constant 0 : i32
      %dma_start3A_14 = tpu.memref_slice %arg3[%add3A, %dma_start3A_12, %dma_start3A_13] : memref<32x80x128xi32, #tpu.memory_space<hbm>> -> memref<1x80x128xi32, #tpu.memory_space<hbm>>
      %dma_start3A_15 = tpu.memref_squeeze %dma_start3A_14 : memref<1x80x128xi32, #tpu.memory_space<hbm>> -> memref<80x128xi32, #tpu.memory_space<hbm>>
      tpu.enqueue_dma source(%dma_start3A_15 : memref<80x128xi32, #tpu.memory_space<hbm>>) target(%arg7 : memref<80x128xi32, #tpu.memory_space<vmem>>) target_semaphore(%run_scoped3A : memref<!tpu.dma_semaphore, #tpu.memory_space<semaphore_mem>>)
      %dma_wait3A = arith.constant 0 : i32
      %dma_wait3A_16 = arith.constant 0 : i32
      %dma_wait3A_17 = tpu.memref_slice %arg3[%add3A, %dma_wait3A, %dma_wait3A_16] : memref<32x80x128xi32, #tpu.memory_space<hbm>> -> memref<1x80x128xi32, #tpu.memory_space<hbm>>
      %dma_wait3A_18 = tpu.memref_squeeze %dma_wait3A_17 : memref<1x80x128xi32, #tpu.memory_space<hbm>> -> memref<80x128xi32, #tpu.memory_space<hbm>>
      %dma_wait3A_19 = arith.constant 0 : i32
      %dma_wait3A_20 = arith.constant 0 : i32
      %dma_wait3A_21 = tpu.memref_slice %arg3[%add3A, %dma_wait3A_19, %dma_wait3A_20] : memref<32x80x128xi32, #tpu.memory_space<hbm>> -> memref<1x80x128xi32, #tpu.memory_space<hbm>>
      %dma_wait3A_22 = tpu.memref_squeeze %dma_wait3A_21 : memref<1x80x128xi32, #tpu.memory_space<hbm>> -> memref<80x128xi32, #tpu.memory_space<hbm>>
      tpu.wait_dma2 semaphore(%run_scoped3A : memref<!tpu.dma_semaphore, #tpu.memory_space<semaphore_mem>>) src(%dma_wait3A_22 : memref<80x128xi32, #tpu.memory_space<hbm>>) dst(%arg7 : memref<80x128xi32, #tpu.memory_space<vmem>>)
      tpu.yield
    }) : () -> ()
    "tpu.region"() ({
      %run_scoped3A = tpu.sem_alloc : memref<!tpu.dma_semaphore, #tpu.memory_space<semaphore_mem>>
      %dma_start3A = arith.constant 0 : i32
      %dma_start3A_9 = arith.constant 0 : i32
      %dma_start3A_10 = tpu.memref_slice %arg4[%add3A, %dma_start3A, %dma_start3A_9] : memref<32x80x128xi32, #tpu.memory_space<hbm>> -> memref<1x80x128xi32, #tpu.memory_space<hbm>>
      %dma_start3A_11 = tpu.memref_squeeze %dma_start3A_10 : memref<1x80x128xi32, #tpu.memory_space<hbm>> -> memref<80x128xi32, #tpu.memory_space<hbm>>
      %dma_start3A_12 = arith.constant 0 : i32
      %dma_start3A_13 = arith.constant 0 : i32
      %dma_start3A_14 = tpu.memref_slice %arg4[%add3A, %dma_start3A_12, %dma_start3A_13] : memref<32x80x128xi32, #tpu.memory_space<hbm>> -> memref<1x80x128xi32, #tpu.memory_space<hbm>>
      %dma_start3A_15 = tpu.memref_squeeze %dma_start3A_14 : memref<1x80x128xi32, #tpu.memory_space<hbm>> -> memref<80x128xi32, #tpu.memory_space<hbm>>
      tpu.enqueue_dma source(%dma_start3A_15 : memref<80x128xi32, #tpu.memory_space<hbm>>) target(%arg8 : memref<80x128xi32, #tpu.memory_space<vmem>>) target_semaphore(%run_scoped3A : memref<!tpu.dma_semaphore, #tpu.memory_space<semaphore_mem>>)
      %dma_wait3A = arith.constant 0 : i32
      %dma_wait3A_16 = arith.constant 0 : i32
      %dma_wait3A_17 = tpu.memref_slice %arg4[%add3A, %dma_wait3A, %dma_wait3A_16] : memref<32x80x128xi32, #tpu.memory_space<hbm>> -> memref<1x80x128xi32, #tpu.memory_space<hbm>>
      %dma_wait3A_18 = tpu.memref_squeeze %dma_wait3A_17 : memref<1x80x128xi32, #tpu.memory_space<hbm>> -> memref<80x128xi32, #tpu.memory_space<hbm>>
      %dma_wait3A_19 = arith.constant 0 : i32
      %dma_wait3A_20 = arith.constant 0 : i32
      %dma_wait3A_21 = tpu.memref_slice %arg4[%add3A, %dma_wait3A_19, %dma_wait3A_20] : memref<32x80x128xi32, #tpu.memory_space<hbm>> -> memref<1x80x128xi32, #tpu.memory_space<hbm>>
      %dma_wait3A_22 = tpu.memref_squeeze %dma_wait3A_21 : memref<1x80x128xi32, #tpu.memory_space<hbm>> -> memref<80x128xi32, #tpu.memory_space<hbm>>
      tpu.wait_dma2 semaphore(%run_scoped3A : memref<!tpu.dma_semaphore, #tpu.memory_space<semaphore_mem>>) src(%dma_wait3A_22 : memref<80x128xi32, #tpu.memory_space<hbm>>) dst(%arg8 : memref<80x128xi32, #tpu.memory_space<vmem>>)
      tpu.yield
    }) : () -> ()
    %barrier3A = arith.constant 0 : index
    tpu.barrier barrier_id(%barrier3A)
    %scan3A = arith.constant 0 : i32
    %scan3A_3 = arith.constant 0 : i32
    %scan3A_4 = arith.constant 80 : i32
    %scan3A_5 = arith.addi %scan3A_3, %scan3A_4 : i32
    %scan3A_6 = arith.constant 1 : i32
    scf.for %scan3A_9 = %scan3A_3 to %scan3A_5 step %scan3A_6  : i32 {
      %dma_start3A = arith.constant 0 : i32
      %dma_start3A_10 = tpu.memref_slice %arg7[%scan3A_9, %dma_start3A] : memref<80x128xi32, #tpu.memory_space<vmem>> -> memref<1x128xi32, #tpu.memory_space<vmem>>
      %dma_start3A_11 = tpu.memref_squeeze %dma_start3A_10 : memref<1x128xi32, #tpu.memory_space<vmem>> -> memref<128xi32, #tpu.memory_space<vmem>>
      %dma_start3A_12 = arith.constant 0 : i32
      %dma_start3A_13 = arith.constant 0 : i32
      %dma_start3A_14 = tpu.memref_slice %arg2[%dma_start3A_12, %dma_start3A_13] : memref<10112x48xf32, #tpu.memory_space<hbm>> -> memref<10112x48xf32, #tpu.memory_space<hbm>>
      tpu.enqueue_indirect_dma source(%dma_start3A_14 : memref<10112x48xf32, #tpu.memory_space<hbm>>) target(%arg9 : memref<128x48xf32, #tpu.memory_space<vmem>>) offsets(%dma_start3A_11 : memref<128xi32, #tpu.memory_space<vmem>>) semaphore(%arg10 : memref<!tpu.dma_semaphore, #tpu.memory_space<semaphore_mem>>)
      %dma_wait3A = arith.constant 0 : i32
      %dma_wait3A_15 = tpu.memref_slice %arg7[%scan3A_9, %dma_wait3A] : memref<80x128xi32, #tpu.memory_space<vmem>> -> memref<1x128xi32, #tpu.memory_space<vmem>>
      %dma_wait3A_16 = tpu.memref_squeeze %dma_wait3A_15 : memref<1x128xi32, #tpu.memory_space<vmem>> -> memref<128xi32, #tpu.memory_space<vmem>>
      %dma_wait3A_17 = arith.constant 0 : i32
      %dma_wait3A_18 = arith.constant 0 : i32
      %dma_wait3A_19 = tpu.memref_slice %arg2[%dma_wait3A_17, %dma_wait3A_18] : memref<10112x48xf32, #tpu.memory_space<hbm>> -> memref<10112x48xf32, #tpu.memory_space<hbm>>
      tpu.wait_indirect_dma semaphore(%arg10 : memref<!tpu.dma_semaphore, #tpu.memory_space<semaphore_mem>>) src(%dma_wait3A_19 : memref<10112x48xf32, #tpu.memory_space<hbm>>) dst(%arg9 : memref<128x48xf32, #tpu.memory_space<vmem>>)
      "tpu.region"() ({
        %run_scoped3A = tpu.sem_alloc : memref<!tpu.dma_semaphore, #tpu.memory_space<semaphore_mem>>
        %dma_start3A_20 = arith.constant 0 : i32
        %dma_start3A_21 = tpu.memref_slice %arg8[%scan3A_9, %dma_start3A_20] : memref<80x128xi32, #tpu.memory_space<vmem>> -> memref<1x128xi32, #tpu.memory_space<vmem>>
        %dma_start3A_22 = tpu.memref_squeeze %dma_start3A_21 : memref<1x128xi32, #tpu.memory_space<vmem>> -> memref<128xi32, #tpu.memory_space<vmem>>
        %dma_start3A_23 = arith.constant 0 : i32
        %dma_start3A_24 = arith.constant 0 : i32
        %dma_start3A_25 = tpu.memref_slice %arg11[%dma_start3A_23, %dma_start3A_24] : memref<10112x48xf32, #tpu.memory_space<vmem_shared>> -> memref<10112x48xf32, #tpu.memory_space<vmem_shared>>
        tpu.enqueue_indirect_dma source(%arg9 : memref<128x48xf32, #tpu.memory_space<vmem>>) target(%dma_start3A_25 : memref<10112x48xf32, #tpu.memory_space<vmem_shared>>) offsets(%dma_start3A_22 : memref<128xi32, #tpu.memory_space<vmem>>) semaphore(%run_scoped3A : memref<!tpu.dma_semaphore, #tpu.memory_space<semaphore_mem>>) {add = true}
        %dma_wait3A_26 = arith.constant 0 : i32
        %dma_wait3A_27 = tpu.memref_slice %arg8[%scan3A_9, %dma_wait3A_26] : memref<80x128xi32, #tpu.memory_space<vmem>> -> memref<1x128xi32, #tpu.memory_space<vmem>>
        %dma_wait3A_28 = tpu.memref_squeeze %dma_wait3A_27 : memref<1x128xi32, #tpu.memory_space<vmem>> -> memref<128xi32, #tpu.memory_space<vmem>>
        %dma_wait3A_29 = arith.constant 0 : i32
        %dma_wait3A_30 = arith.constant 0 : i32
        %dma_wait3A_31 = tpu.memref_slice %arg11[%dma_wait3A_29, %dma_wait3A_30] : memref<10112x48xf32, #tpu.memory_space<vmem_shared>> -> memref<10112x48xf32, #tpu.memory_space<vmem_shared>>
        tpu.wait_indirect_dma semaphore(%run_scoped3A : memref<!tpu.dma_semaphore, #tpu.memory_space<semaphore_mem>>) src(%arg9 : memref<128x48xf32, #tpu.memory_space<vmem>>) dst(%dma_wait3A_31 : memref<10112x48xf32, #tpu.memory_space<vmem_shared>>)
        tpu.yield
      }) : () -> ()
    }
    %scan3A_7 = arith.constant 80 : i32
    %barrier3A_8 = arith.constant 0 : index
    tpu.barrier barrier_id(%barrier3A_8)
    "tpu.region"() ({
      %run_scoped3A = tpu.sem_alloc : memref<!tpu.dma_semaphore, #tpu.memory_space<semaphore_mem>>
      %dma_start3A = arith.constant 0 : i32
      %dma_start3A_9 = tpu.memref_slice %arg6[%arg0, %mul3A_2, %dma_start3A] : memref<2x10112x48xf32, #tpu.memory_space<hbm>> -> memref<1x632x48xf32, #tpu.memory_space<hbm>>
      %dma_start3A_10 = tpu.memref_squeeze %dma_start3A_9 : memref<1x632x48xf32, #tpu.memory_space<hbm>> -> memref<632x48xf32, #tpu.memory_space<hbm>>
      %dma_start3A_11 = arith.constant 0 : i32
      %dma_start3A_12 = tpu.memref_slice %arg11[%mul3A_2, %dma_start3A_11] : memref<10112x48xf32, #tpu.memory_space<vmem_shared>> -> memref<632x48xf32, #tpu.memory_space<vmem_shared>>
      tpu.enqueue_dma source(%dma_start3A_12 : memref<632x48xf32, #tpu.memory_space<vmem_shared>>) target(%dma_start3A_10 : memref<632x48xf32, #tpu.memory_space<hbm>>) target_semaphore(%run_scoped3A : memref<!tpu.dma_semaphore, #tpu.memory_space<semaphore_mem>>)
      %dma_wait3A = arith.constant 0 : i32
      %dma_wait3A_13 = tpu.memref_slice %arg6[%arg0, %mul3A_2, %dma_wait3A] : memref<2x10112x48xf32, #tpu.memory_space<hbm>> -> memref<1x632x48xf32, #tpu.memory_space<hbm>>
      %dma_wait3A_14 = tpu.memref_squeeze %dma_wait3A_13 : memref<1x632x48xf32, #tpu.memory_space<hbm>> -> memref<632x48xf32, #tpu.memory_space<hbm>>
      %dma_wait3A_15 = arith.constant 0 : i32
      %dma_wait3A_16 = tpu.memref_slice %arg11[%mul3A_2, %dma_wait3A_15] : memref<10112x48xf32, #tpu.memory_space<vmem_shared>> -> memref<632x48xf32, #tpu.memory_space<vmem_shared>>
      tpu.wait_dma2 semaphore(%run_scoped3A : memref<!tpu.dma_semaphore, #tpu.memory_space<semaphore_mem>>) src(%dma_wait3A_16 : memref<632x48xf32, #tpu.memory_space<vmem_shared>>) dst(%dma_wait3A_14 : memref<632x48xf32, #tpu.memory_space<hbm>>)
      tpu.yield
    }) : () -> ()
    return
  }
}

#map = affine_map<(d0, d1) -> (0, 0)>
#map1 = affine_map<(d0, d1) -> (0, 0, 0)>
module attributes {stable_mosaic.version = 14 : i64} {
  func.func @_sc_body(%arg0: i32, %arg1: i32, %arg2: memref<10112x32xf32, #tpu.memory_space<hbm>>, %arg3: memref<32x80x128xi32, #tpu.memory_space<hbm>>, %arg4: memref<32x80x128xi32, #tpu.memory_space<hbm>>, %arg5: memref<10112x32xf32, #tpu.memory_space<hbm>>, %arg6: memref<2x10112x32xf32, #tpu.memory_space<hbm>>, %arg7: memref<80x128xi32, #tpu.memory_space<vmem>>, %arg8: memref<80x128xi32, #tpu.memory_space<vmem>>, %arg9: memref<128x32xf32, #tpu.memory_space<vmem>>, %arg10: memref<!tpu.dma_semaphore, #tpu.memory_space<semaphore_mem>>, %arg11: memref<10112x32xf32, #tpu.memory_space<vmem_shared>>) attributes {dimension_semantics = [#tpu.dimension_semantics<core_parallel>, #tpu.dimension_semantics<subcore_parallel>], iteration_bounds = array<i64: 2, 16>, scalar_prefetch = 0 : i64, scratch_operands = 5 : i64, tpu.core_type = #tpu.core_type<sc_vector_subcore>, window_params = [{transform_indices = #map}, {transform_indices = #map1}, {transform_indices = #map1}, {transform_indices = #map}, {transform_indices = #map1}]} {
    %mul3A = arith.constant 2 : i32
    %mul3A_0 = arith.muli %arg1, %mul3A : i32
    %add3A = arith.addi %mul3A_0, %arg0 : i32
    %mul3A_1 = arith.constant 632 : i32
    %mul3A_2 = arith.muli %arg1, %mul3A_1 : i32
    "tpu.region"() ({
      %run_scoped3A = tpu.sem_alloc : memref<!tpu.dma_semaphore, #tpu.memory_space<semaphore_mem>>
      %dma_start3A = arith.constant 0 : i32
      %dma_start3A_9 = tpu.memref_slice %arg11[%mul3A_2, %dma_start3A] : memref<10112x32xf32, #tpu.memory_space<vmem_shared>> -> memref<632x32xf32, #tpu.memory_space<vmem_shared>>
      %dma_start3A_10 = arith.constant 0 : i32
      %dma_start3A_11 = tpu.memref_slice %arg5[%mul3A_2, %dma_start3A_10] : memref<10112x32xf32, #tpu.memory_space<hbm>> -> memref<632x32xf32, #tpu.memory_space<hbm>>
      tpu.enqueue_dma source(%dma_start3A_11 : memref<632x32xf32, #tpu.memory_space<hbm>>) target(%dma_start3A_9 : memref<632x32xf32, #tpu.memory_space<vmem_shared>>) target_semaphore(%run_scoped3A : memref<!tpu.dma_semaphore, #tpu.memory_space<semaphore_mem>>)
      %dma_wait3A = arith.constant 0 : i32
      %dma_wait3A_12 = tpu.memref_slice %arg11[%mul3A_2, %dma_wait3A] : memref<10112x32xf32, #tpu.memory_space<vmem_shared>> -> memref<632x32xf32, #tpu.memory_space<vmem_shared>>
      %dma_wait3A_13 = arith.constant 0 : i32
      %dma_wait3A_14 = tpu.memref_slice %arg5[%mul3A_2, %dma_wait3A_13] : memref<10112x32xf32, #tpu.memory_space<hbm>> -> memref<632x32xf32, #tpu.memory_space<hbm>>
      tpu.wait_dma2 semaphore(%run_scoped3A : memref<!tpu.dma_semaphore, #tpu.memory_space<semaphore_mem>>) src(%dma_wait3A_14 : memref<632x32xf32, #tpu.memory_space<hbm>>) dst(%dma_wait3A_12 : memref<632x32xf32, #tpu.memory_space<vmem_shared>>)
      tpu.yield
    }) : () -> ()
    "tpu.region"() ({
      %run_scoped3A = tpu.sem_alloc : memref<!tpu.dma_semaphore, #tpu.memory_space<semaphore_mem>>
      %dma_start3A = arith.constant 0 : i32
      %dma_start3A_9 = arith.constant 0 : i32
      %dma_start3A_10 = tpu.memref_slice %arg3[%add3A, %dma_start3A, %dma_start3A_9] : memref<32x80x128xi32, #tpu.memory_space<hbm>> -> memref<1x80x128xi32, #tpu.memory_space<hbm>>
      %dma_start3A_11 = tpu.memref_squeeze %dma_start3A_10 : memref<1x80x128xi32, #tpu.memory_space<hbm>> -> memref<80x128xi32, #tpu.memory_space<hbm>>
      %dma_start3A_12 = arith.constant 0 : i32
      %dma_start3A_13 = arith.constant 0 : i32
      %dma_start3A_14 = tpu.memref_slice %arg3[%add3A, %dma_start3A_12, %dma_start3A_13] : memref<32x80x128xi32, #tpu.memory_space<hbm>> -> memref<1x80x128xi32, #tpu.memory_space<hbm>>
      %dma_start3A_15 = tpu.memref_squeeze %dma_start3A_14 : memref<1x80x128xi32, #tpu.memory_space<hbm>> -> memref<80x128xi32, #tpu.memory_space<hbm>>
      tpu.enqueue_dma source(%dma_start3A_15 : memref<80x128xi32, #tpu.memory_space<hbm>>) target(%arg7 : memref<80x128xi32, #tpu.memory_space<vmem>>) target_semaphore(%run_scoped3A : memref<!tpu.dma_semaphore, #tpu.memory_space<semaphore_mem>>)
      %dma_wait3A = arith.constant 0 : i32
      %dma_wait3A_16 = arith.constant 0 : i32
      %dma_wait3A_17 = tpu.memref_slice %arg3[%add3A, %dma_wait3A, %dma_wait3A_16] : memref<32x80x128xi32, #tpu.memory_space<hbm>> -> memref<1x80x128xi32, #tpu.memory_space<hbm>>
      %dma_wait3A_18 = tpu.memref_squeeze %dma_wait3A_17 : memref<1x80x128xi32, #tpu.memory_space<hbm>> -> memref<80x128xi32, #tpu.memory_space<hbm>>
      %dma_wait3A_19 = arith.constant 0 : i32
      %dma_wait3A_20 = arith.constant 0 : i32
      %dma_wait3A_21 = tpu.memref_slice %arg3[%add3A, %dma_wait3A_19, %dma_wait3A_20] : memref<32x80x128xi32, #tpu.memory_space<hbm>> -> memref<1x80x128xi32, #tpu.memory_space<hbm>>
      %dma_wait3A_22 = tpu.memref_squeeze %dma_wait3A_21 : memref<1x80x128xi32, #tpu.memory_space<hbm>> -> memref<80x128xi32, #tpu.memory_space<hbm>>
      tpu.wait_dma2 semaphore(%run_scoped3A : memref<!tpu.dma_semaphore, #tpu.memory_space<semaphore_mem>>) src(%dma_wait3A_22 : memref<80x128xi32, #tpu.memory_space<hbm>>) dst(%arg7 : memref<80x128xi32, #tpu.memory_space<vmem>>)
      tpu.yield
    }) : () -> ()
    "tpu.region"() ({
      %run_scoped3A = tpu.sem_alloc : memref<!tpu.dma_semaphore, #tpu.memory_space<semaphore_mem>>
      %dma_start3A = arith.constant 0 : i32
      %dma_start3A_9 = arith.constant 0 : i32
      %dma_start3A_10 = tpu.memref_slice %arg4[%add3A, %dma_start3A, %dma_start3A_9] : memref<32x80x128xi32, #tpu.memory_space<hbm>> -> memref<1x80x128xi32, #tpu.memory_space<hbm>>
      %dma_start3A_11 = tpu.memref_squeeze %dma_start3A_10 : memref<1x80x128xi32, #tpu.memory_space<hbm>> -> memref<80x128xi32, #tpu.memory_space<hbm>>
      %dma_start3A_12 = arith.constant 0 : i32
      %dma_start3A_13 = arith.constant 0 : i32
      %dma_start3A_14 = tpu.memref_slice %arg4[%add3A, %dma_start3A_12, %dma_start3A_13] : memref<32x80x128xi32, #tpu.memory_space<hbm>> -> memref<1x80x128xi32, #tpu.memory_space<hbm>>
      %dma_start3A_15 = tpu.memref_squeeze %dma_start3A_14 : memref<1x80x128xi32, #tpu.memory_space<hbm>> -> memref<80x128xi32, #tpu.memory_space<hbm>>
      tpu.enqueue_dma source(%dma_start3A_15 : memref<80x128xi32, #tpu.memory_space<hbm>>) target(%arg8 : memref<80x128xi32, #tpu.memory_space<vmem>>) target_semaphore(%run_scoped3A : memref<!tpu.dma_semaphore, #tpu.memory_space<semaphore_mem>>)
      %dma_wait3A = arith.constant 0 : i32
      %dma_wait3A_16 = arith.constant 0 : i32
      %dma_wait3A_17 = tpu.memref_slice %arg4[%add3A, %dma_wait3A, %dma_wait3A_16] : memref<32x80x128xi32, #tpu.memory_space<hbm>> -> memref<1x80x128xi32, #tpu.memory_space<hbm>>
      %dma_wait3A_18 = tpu.memref_squeeze %dma_wait3A_17 : memref<1x80x128xi32, #tpu.memory_space<hbm>> -> memref<80x128xi32, #tpu.memory_space<hbm>>
      %dma_wait3A_19 = arith.constant 0 : i32
      %dma_wait3A_20 = arith.constant 0 : i32
      %dma_wait3A_21 = tpu.memref_slice %arg4[%add3A, %dma_wait3A_19, %dma_wait3A_20] : memref<32x80x128xi32, #tpu.memory_space<hbm>> -> memref<1x80x128xi32, #tpu.memory_space<hbm>>
      %dma_wait3A_22 = tpu.memref_squeeze %dma_wait3A_21 : memref<1x80x128xi32, #tpu.memory_space<hbm>> -> memref<80x128xi32, #tpu.memory_space<hbm>>
      tpu.wait_dma2 semaphore(%run_scoped3A : memref<!tpu.dma_semaphore, #tpu.memory_space<semaphore_mem>>) src(%dma_wait3A_22 : memref<80x128xi32, #tpu.memory_space<hbm>>) dst(%arg8 : memref<80x128xi32, #tpu.memory_space<vmem>>)
      tpu.yield
    }) : () -> ()
    %barrier3A = arith.constant 0 : index
    tpu.barrier barrier_id(%barrier3A)
    %scan3A = arith.constant 0 : i32
    %scan3A_3 = arith.constant 0 : i32
    %scan3A_4 = arith.constant 80 : i32
    %scan3A_5 = arith.addi %scan3A_3, %scan3A_4 : i32
    %scan3A_6 = arith.constant 1 : i32
    scf.for %scan3A_9 = %scan3A_3 to %scan3A_5 step %scan3A_6  : i32 {
      %dma_start3A = arith.constant 0 : i32
      %dma_start3A_10 = tpu.memref_slice %arg7[%scan3A_9, %dma_start3A] : memref<80x128xi32, #tpu.memory_space<vmem>> -> memref<1x128xi32, #tpu.memory_space<vmem>>
      %dma_start3A_11 = tpu.memref_squeeze %dma_start3A_10 : memref<1x128xi32, #tpu.memory_space<vmem>> -> memref<128xi32, #tpu.memory_space<vmem>>
      %dma_start3A_12 = arith.constant 0 : i32
      %dma_start3A_13 = arith.constant 0 : i32
      %dma_start3A_14 = tpu.memref_slice %arg2[%dma_start3A_12, %dma_start3A_13] : memref<10112x32xf32, #tpu.memory_space<hbm>> -> memref<10112x32xf32, #tpu.memory_space<hbm>>
      tpu.enqueue_indirect_dma source(%dma_start3A_14 : memref<10112x32xf32, #tpu.memory_space<hbm>>) target(%arg9 : memref<128x32xf32, #tpu.memory_space<vmem>>) offsets(%dma_start3A_11 : memref<128xi32, #tpu.memory_space<vmem>>) semaphore(%arg10 : memref<!tpu.dma_semaphore, #tpu.memory_space<semaphore_mem>>)
      %dma_wait3A = arith.constant 0 : i32
      %dma_wait3A_15 = tpu.memref_slice %arg7[%scan3A_9, %dma_wait3A] : memref<80x128xi32, #tpu.memory_space<vmem>> -> memref<1x128xi32, #tpu.memory_space<vmem>>
      %dma_wait3A_16 = tpu.memref_squeeze %dma_wait3A_15 : memref<1x128xi32, #tpu.memory_space<vmem>> -> memref<128xi32, #tpu.memory_space<vmem>>
      %dma_wait3A_17 = arith.constant 0 : i32
      %dma_wait3A_18 = arith.constant 0 : i32
      %dma_wait3A_19 = tpu.memref_slice %arg2[%dma_wait3A_17, %dma_wait3A_18] : memref<10112x32xf32, #tpu.memory_space<hbm>> -> memref<10112x32xf32, #tpu.memory_space<hbm>>
      tpu.wait_indirect_dma semaphore(%arg10 : memref<!tpu.dma_semaphore, #tpu.memory_space<semaphore_mem>>) src(%dma_wait3A_19 : memref<10112x32xf32, #tpu.memory_space<hbm>>) dst(%arg9 : memref<128x32xf32, #tpu.memory_space<vmem>>)
      "tpu.region"() ({
        %run_scoped3A = tpu.sem_alloc : memref<!tpu.dma_semaphore, #tpu.memory_space<semaphore_mem>>
        %dma_start3A_20 = arith.constant 0 : i32
        %dma_start3A_21 = tpu.memref_slice %arg8[%scan3A_9, %dma_start3A_20] : memref<80x128xi32, #tpu.memory_space<vmem>> -> memref<1x128xi32, #tpu.memory_space<vmem>>
        %dma_start3A_22 = tpu.memref_squeeze %dma_start3A_21 : memref<1x128xi32, #tpu.memory_space<vmem>> -> memref<128xi32, #tpu.memory_space<vmem>>
        %dma_start3A_23 = arith.constant 0 : i32
        %dma_start3A_24 = arith.constant 0 : i32
        %dma_start3A_25 = tpu.memref_slice %arg11[%dma_start3A_23, %dma_start3A_24] : memref<10112x32xf32, #tpu.memory_space<vmem_shared>> -> memref<10112x32xf32, #tpu.memory_space<vmem_shared>>
        tpu.enqueue_indirect_dma source(%arg9 : memref<128x32xf32, #tpu.memory_space<vmem>>) target(%dma_start3A_25 : memref<10112x32xf32, #tpu.memory_space<vmem_shared>>) offsets(%dma_start3A_22 : memref<128xi32, #tpu.memory_space<vmem>>) semaphore(%run_scoped3A : memref<!tpu.dma_semaphore, #tpu.memory_space<semaphore_mem>>) {add = true}
        %dma_wait3A_26 = arith.constant 0 : i32
        %dma_wait3A_27 = tpu.memref_slice %arg8[%scan3A_9, %dma_wait3A_26] : memref<80x128xi32, #tpu.memory_space<vmem>> -> memref<1x128xi32, #tpu.memory_space<vmem>>
        %dma_wait3A_28 = tpu.memref_squeeze %dma_wait3A_27 : memref<1x128xi32, #tpu.memory_space<vmem>> -> memref<128xi32, #tpu.memory_space<vmem>>
        %dma_wait3A_29 = arith.constant 0 : i32
        %dma_wait3A_30 = arith.constant 0 : i32
        %dma_wait3A_31 = tpu.memref_slice %arg11[%dma_wait3A_29, %dma_wait3A_30] : memref<10112x32xf32, #tpu.memory_space<vmem_shared>> -> memref<10112x32xf32, #tpu.memory_space<vmem_shared>>
        tpu.wait_indirect_dma semaphore(%run_scoped3A : memref<!tpu.dma_semaphore, #tpu.memory_space<semaphore_mem>>) src(%arg9 : memref<128x32xf32, #tpu.memory_space<vmem>>) dst(%dma_wait3A_31 : memref<10112x32xf32, #tpu.memory_space<vmem_shared>>)
        tpu.yield
      }) : () -> ()
    }
    %scan3A_7 = arith.constant 80 : i32
    %barrier3A_8 = arith.constant 0 : index
    tpu.barrier barrier_id(%barrier3A_8)
    "tpu.region"() ({
      %run_scoped3A = tpu.sem_alloc : memref<!tpu.dma_semaphore, #tpu.memory_space<semaphore_mem>>
      %dma_start3A = arith.constant 0 : i32
      %dma_start3A_9 = tpu.memref_slice %arg6[%arg0, %mul3A_2, %dma_start3A] : memref<2x10112x32xf32, #tpu.memory_space<hbm>> -> memref<1x632x32xf32, #tpu.memory_space<hbm>>
      %dma_start3A_10 = tpu.memref_squeeze %dma_start3A_9 : memref<1x632x32xf32, #tpu.memory_space<hbm>> -> memref<632x32xf32, #tpu.memory_space<hbm>>
      %dma_start3A_11 = arith.constant 0 : i32
      %dma_start3A_12 = tpu.memref_slice %arg11[%mul3A_2, %dma_start3A_11] : memref<10112x32xf32, #tpu.memory_space<vmem_shared>> -> memref<632x32xf32, #tpu.memory_space<vmem_shared>>
      tpu.enqueue_dma source(%dma_start3A_12 : memref<632x32xf32, #tpu.memory_space<vmem_shared>>) target(%dma_start3A_10 : memref<632x32xf32, #tpu.memory_space<hbm>>) target_semaphore(%run_scoped3A : memref<!tpu.dma_semaphore, #tpu.memory_space<semaphore_mem>>)
      %dma_wait3A = arith.constant 0 : i32
      %dma_wait3A_13 = tpu.memref_slice %arg6[%arg0, %mul3A_2, %dma_wait3A] : memref<2x10112x32xf32, #tpu.memory_space<hbm>> -> memref<1x632x32xf32, #tpu.memory_space<hbm>>
      %dma_wait3A_14 = tpu.memref_squeeze %dma_wait3A_13 : memref<1x632x32xf32, #tpu.memory_space<hbm>> -> memref<632x32xf32, #tpu.memory_space<hbm>>
      %dma_wait3A_15 = arith.constant 0 : i32
      %dma_wait3A_16 = tpu.memref_slice %arg11[%mul3A_2, %dma_wait3A_15] : memref<10112x32xf32, #tpu.memory_space<vmem_shared>> -> memref<632x32xf32, #tpu.memory_space<vmem_shared>>
      tpu.wait_dma2 semaphore(%run_scoped3A : memref<!tpu.dma_semaphore, #tpu.memory_space<semaphore_mem>>) src(%dma_wait3A_16 : memref<632x32xf32, #tpu.memory_space<vmem_shared>>) dst(%dma_wait3A_14 : memref<632x32xf32, #tpu.memory_space<hbm>>)
      tpu.yield
    }) : () -> ()
    return
  }
}

#map = affine_map<(d0, d1) -> (0, 0)>
#map1 = affine_map<(d0, d1) -> (0, 0, 0)>
module attributes {stable_mosaic.version = 14 : i64} {
  func.func @_sc_body(%arg0: i32, %arg1: i32, %arg2: memref<10112x32xf32, #tpu.memory_space<hbm>>, %arg3: memref<32x80x128xi32, #tpu.memory_space<hbm>>, %arg4: memref<32x80x128xi32, #tpu.memory_space<hbm>>, %arg5: memref<10112x32xf32, #tpu.memory_space<hbm>>, %arg6: memref<2x10112x32xf32, #tpu.memory_space<hbm>>, %arg7: memref<80x128xi32, #tpu.memory_space<vmem>>, %arg8: memref<80x128xi32, #tpu.memory_space<vmem>>, %arg9: memref<128x32xf32, #tpu.memory_space<vmem>>, %arg10: memref<!tpu.dma_semaphore, #tpu.memory_space<semaphore_mem>>, %arg11: memref<10112x32xf32, #tpu.memory_space<vmem_shared>>) attributes {dimension_semantics = [#tpu.dimension_semantics<core_parallel>, #tpu.dimension_semantics<subcore_parallel>], iteration_bounds = array<i64: 2, 16>, scalar_prefetch = 0 : i64, scratch_operands = 5 : i64, tpu.core_type = #tpu.core_type<sc_vector_subcore>, window_params = [{transform_indices = #map}, {transform_indices = #map1}, {transform_indices = #map1}, {transform_indices = #map}, {transform_indices = #map1}]} {
    %mul3A = arith.constant 2 : i32
    %mul3A_0 = arith.muli %arg1, %mul3A : i32
    %add3A = arith.addi %mul3A_0, %arg0 : i32
    %mul3A_1 = arith.constant 632 : i32
    %mul3A_2 = arith.muli %arg1, %mul3A_1 : i32
    "tpu.region"() ({
      %run_scoped3A = tpu.sem_alloc : memref<!tpu.dma_semaphore, #tpu.memory_space<semaphore_mem>>
      %dma_start3A = arith.constant 0 : i32
      %dma_start3A_9 = tpu.memref_slice %arg11[%mul3A_2, %dma_start3A] : memref<10112x32xf32, #tpu.memory_space<vmem_shared>> -> memref<632x32xf32, #tpu.memory_space<vmem_shared>>
      %dma_start3A_10 = arith.constant 0 : i32
      %dma_start3A_11 = tpu.memref_slice %arg5[%mul3A_2, %dma_start3A_10] : memref<10112x32xf32, #tpu.memory_space<hbm>> -> memref<632x32xf32, #tpu.memory_space<hbm>>
      tpu.enqueue_dma source(%dma_start3A_11 : memref<632x32xf32, #tpu.memory_space<hbm>>) target(%dma_start3A_9 : memref<632x32xf32, #tpu.memory_space<vmem_shared>>) target_semaphore(%run_scoped3A : memref<!tpu.dma_semaphore, #tpu.memory_space<semaphore_mem>>)
      %dma_wait3A = arith.constant 0 : i32
      %dma_wait3A_12 = tpu.memref_slice %arg11[%mul3A_2, %dma_wait3A] : memref<10112x32xf32, #tpu.memory_space<vmem_shared>> -> memref<632x32xf32, #tpu.memory_space<vmem_shared>>
      %dma_wait3A_13 = arith.constant 0 : i32
      %dma_wait3A_14 = tpu.memref_slice %arg5[%mul3A_2, %dma_wait3A_13] : memref<10112x32xf32, #tpu.memory_space<hbm>> -> memref<632x32xf32, #tpu.memory_space<hbm>>
      tpu.wait_dma2 semaphore(%run_scoped3A : memref<!tpu.dma_semaphore, #tpu.memory_space<semaphore_mem>>) src(%dma_wait3A_14 : memref<632x32xf32, #tpu.memory_space<hbm>>) dst(%dma_wait3A_12 : memref<632x32xf32, #tpu.memory_space<vmem_shared>>)
      tpu.yield
    }) : () -> ()
    "tpu.region"() ({
      %run_scoped3A = tpu.sem_alloc : memref<!tpu.dma_semaphore, #tpu.memory_space<semaphore_mem>>
      %dma_start3A = arith.constant 0 : i32
      %dma_start3A_9 = arith.constant 0 : i32
      %dma_start3A_10 = tpu.memref_slice %arg3[%add3A, %dma_start3A, %dma_start3A_9] : memref<32x80x128xi32, #tpu.memory_space<hbm>> -> memref<1x80x128xi32, #tpu.memory_space<hbm>>
      %dma_start3A_11 = tpu.memref_squeeze %dma_start3A_10 : memref<1x80x128xi32, #tpu.memory_space<hbm>> -> memref<80x128xi32, #tpu.memory_space<hbm>>
      %dma_start3A_12 = arith.constant 0 : i32
      %dma_start3A_13 = arith.constant 0 : i32
      %dma_start3A_14 = tpu.memref_slice %arg3[%add3A, %dma_start3A_12, %dma_start3A_13] : memref<32x80x128xi32, #tpu.memory_space<hbm>> -> memref<1x80x128xi32, #tpu.memory_space<hbm>>
      %dma_start3A_15 = tpu.memref_squeeze %dma_start3A_14 : memref<1x80x128xi32, #tpu.memory_space<hbm>> -> memref<80x128xi32, #tpu.memory_space<hbm>>
      tpu.enqueue_dma source(%dma_start3A_15 : memref<80x128xi32, #tpu.memory_space<hbm>>) target(%arg7 : memref<80x128xi32, #tpu.memory_space<vmem>>) target_semaphore(%run_scoped3A : memref<!tpu.dma_semaphore, #tpu.memory_space<semaphore_mem>>)
      %dma_wait3A = arith.constant 0 : i32
      %dma_wait3A_16 = arith.constant 0 : i32
      %dma_wait3A_17 = tpu.memref_slice %arg3[%add3A, %dma_wait3A, %dma_wait3A_16] : memref<32x80x128xi32, #tpu.memory_space<hbm>> -> memref<1x80x128xi32, #tpu.memory_space<hbm>>
      %dma_wait3A_18 = tpu.memref_squeeze %dma_wait3A_17 : memref<1x80x128xi32, #tpu.memory_space<hbm>> -> memref<80x128xi32, #tpu.memory_space<hbm>>
      %dma_wait3A_19 = arith.constant 0 : i32
      %dma_wait3A_20 = arith.constant 0 : i32
      %dma_wait3A_21 = tpu.memref_slice %arg3[%add3A, %dma_wait3A_19, %dma_wait3A_20] : memref<32x80x128xi32, #tpu.memory_space<hbm>> -> memref<1x80x128xi32, #tpu.memory_space<hbm>>
      %dma_wait3A_22 = tpu.memref_squeeze %dma_wait3A_21 : memref<1x80x128xi32, #tpu.memory_space<hbm>> -> memref<80x128xi32, #tpu.memory_space<hbm>>
      tpu.wait_dma2 semaphore(%run_scoped3A : memref<!tpu.dma_semaphore, #tpu.memory_space<semaphore_mem>>) src(%dma_wait3A_22 : memref<80x128xi32, #tpu.memory_space<hbm>>) dst(%arg7 : memref<80x128xi32, #tpu.memory_space<vmem>>)
      tpu.yield
    }) : () -> ()
    "tpu.region"() ({
      %run_scoped3A = tpu.sem_alloc : memref<!tpu.dma_semaphore, #tpu.memory_space<semaphore_mem>>
      %dma_start3A = arith.constant 0 : i32
      %dma_start3A_9 = arith.constant 0 : i32
      %dma_start3A_10 = tpu.memref_slice %arg4[%add3A, %dma_start3A, %dma_start3A_9] : memref<32x80x128xi32, #tpu.memory_space<hbm>> -> memref<1x80x128xi32, #tpu.memory_space<hbm>>
      %dma_start3A_11 = tpu.memref_squeeze %dma_start3A_10 : memref<1x80x128xi32, #tpu.memory_space<hbm>> -> memref<80x128xi32, #tpu.memory_space<hbm>>
      %dma_start3A_12 = arith.constant 0 : i32
      %dma_start3A_13 = arith.constant 0 : i32
      %dma_start3A_14 = tpu.memref_slice %arg4[%add3A, %dma_start3A_12, %dma_start3A_13] : memref<32x80x128xi32, #tpu.memory_space<hbm>> -> memref<1x80x128xi32, #tpu.memory_space<hbm>>
      %dma_start3A_15 = tpu.memref_squeeze %dma_start3A_14 : memref<1x80x128xi32, #tpu.memory_space<hbm>> -> memref<80x128xi32, #tpu.memory_space<hbm>>
      tpu.enqueue_dma source(%dma_start3A_15 : memref<80x128xi32, #tpu.memory_space<hbm>>) target(%arg8 : memref<80x128xi32, #tpu.memory_space<vmem>>) target_semaphore(%run_scoped3A : memref<!tpu.dma_semaphore, #tpu.memory_space<semaphore_mem>>)
      %dma_wait3A = arith.constant 0 : i32
      %dma_wait3A_16 = arith.constant 0 : i32
      %dma_wait3A_17 = tpu.memref_slice %arg4[%add3A, %dma_wait3A, %dma_wait3A_16] : memref<32x80x128xi32, #tpu.memory_space<hbm>> -> memref<1x80x128xi32, #tpu.memory_space<hbm>>
      %dma_wait3A_18 = tpu.memref_squeeze %dma_wait3A_17 : memref<1x80x128xi32, #tpu.memory_space<hbm>> -> memref<80x128xi32, #tpu.memory_space<hbm>>
      %dma_wait3A_19 = arith.constant 0 : i32
      %dma_wait3A_20 = arith.constant 0 : i32
      %dma_wait3A_21 = tpu.memref_slice %arg4[%add3A, %dma_wait3A_19, %dma_wait3A_20] : memref<32x80x128xi32, #tpu.memory_space<hbm>> -> memref<1x80x128xi32, #tpu.memory_space<hbm>>
      %dma_wait3A_22 = tpu.memref_squeeze %dma_wait3A_21 : memref<1x80x128xi32, #tpu.memory_space<hbm>> -> memref<80x128xi32, #tpu.memory_space<hbm>>
      tpu.wait_dma2 semaphore(%run_scoped3A : memref<!tpu.dma_semaphore, #tpu.memory_space<semaphore_mem>>) src(%dma_wait3A_22 : memref<80x128xi32, #tpu.memory_space<hbm>>) dst(%arg8 : memref<80x128xi32, #tpu.memory_space<vmem>>)
      tpu.yield
    }) : () -> ()
    %barrier3A = arith.constant 0 : index
    tpu.barrier barrier_id(%barrier3A)
    %scan3A = arith.constant 0 : i32
    %scan3A_3 = arith.constant 0 : i32
    %scan3A_4 = arith.constant 80 : i32
    %scan3A_5 = arith.addi %scan3A_3, %scan3A_4 : i32
    %scan3A_6 = arith.constant 1 : i32
    scf.for %scan3A_9 = %scan3A_3 to %scan3A_5 step %scan3A_6  : i32 {
      %dma_start3A = arith.constant 0 : i32
      %dma_start3A_10 = tpu.memref_slice %arg7[%scan3A_9, %dma_start3A] : memref<80x128xi32, #tpu.memory_space<vmem>> -> memref<1x128xi32, #tpu.memory_space<vmem>>
      %dma_start3A_11 = tpu.memref_squeeze %dma_start3A_10 : memref<1x128xi32, #tpu.memory_space<vmem>> -> memref<128xi32, #tpu.memory_space<vmem>>
      %dma_start3A_12 = arith.constant 0 : i32
      %dma_start3A_13 = arith.constant 0 : i32
      %dma_start3A_14 = tpu.memref_slice %arg2[%dma_start3A_12, %dma_start3A_13] : memref<10112x32xf32, #tpu.memory_space<hbm>> -> memref<10112x32xf32, #tpu.memory_space<hbm>>
      tpu.enqueue_indirect_dma source(%dma_start3A_14 : memref<10112x32xf32, #tpu.memory_space<hbm>>) target(%arg9 : memref<128x32xf32, #tpu.memory_space<vmem>>) offsets(%dma_start3A_11 : memref<128xi32, #tpu.memory_space<vmem>>) semaphore(%arg10 : memref<!tpu.dma_semaphore, #tpu.memory_space<semaphore_mem>>)
      %dma_wait3A = arith.constant 0 : i32
      %dma_wait3A_15 = tpu.memref_slice %arg7[%scan3A_9, %dma_wait3A] : memref<80x128xi32, #tpu.memory_space<vmem>> -> memref<1x128xi32, #tpu.memory_space<vmem>>
      %dma_wait3A_16 = tpu.memref_squeeze %dma_wait3A_15 : memref<1x128xi32, #tpu.memory_space<vmem>> -> memref<128xi32, #tpu.memory_space<vmem>>
      %dma_wait3A_17 = arith.constant 0 : i32
      %dma_wait3A_18 = arith.constant 0 : i32
      %dma_wait3A_19 = tpu.memref_slice %arg2[%dma_wait3A_17, %dma_wait3A_18] : memref<10112x32xf32, #tpu.memory_space<hbm>> -> memref<10112x32xf32, #tpu.memory_space<hbm>>
      tpu.wait_indirect_dma semaphore(%arg10 : memref<!tpu.dma_semaphore, #tpu.memory_space<semaphore_mem>>) src(%dma_wait3A_19 : memref<10112x32xf32, #tpu.memory_space<hbm>>) dst(%arg9 : memref<128x32xf32, #tpu.memory_space<vmem>>)
      "tpu.region"() ({
        %run_scoped3A = tpu.sem_alloc : memref<!tpu.dma_semaphore, #tpu.memory_space<semaphore_mem>>
        %dma_start3A_20 = arith.constant 0 : i32
        %dma_start3A_21 = tpu.memref_slice %arg8[%scan3A_9, %dma_start3A_20] : memref<80x128xi32, #tpu.memory_space<vmem>> -> memref<1x128xi32, #tpu.memory_space<vmem>>
        %dma_start3A_22 = tpu.memref_squeeze %dma_start3A_21 : memref<1x128xi32, #tpu.memory_space<vmem>> -> memref<128xi32, #tpu.memory_space<vmem>>
        %dma_start3A_23 = arith.constant 0 : i32
        %dma_start3A_24 = arith.constant 0 : i32
        %dma_start3A_25 = tpu.memref_slice %arg11[%dma_start3A_23, %dma_start3A_24] : memref<10112x32xf32, #tpu.memory_space<vmem_shared>> -> memref<10112x32xf32, #tpu.memory_space<vmem_shared>>
        tpu.enqueue_indirect_dma source(%arg9 : memref<128x32xf32, #tpu.memory_space<vmem>>) target(%dma_start3A_25 : memref<10112x32xf32, #tpu.memory_space<vmem_shared>>) offsets(%dma_start3A_22 : memref<128xi32, #tpu.memory_space<vmem>>) semaphore(%run_scoped3A : memref<!tpu.dma_semaphore, #tpu.memory_space<semaphore_mem>>) {add = true}
        %dma_wait3A_26 = arith.constant 0 : i32
        %dma_wait3A_27 = tpu.memref_slice %arg8[%scan3A_9, %dma_wait3A_26] : memref<80x128xi32, #tpu.memory_space<vmem>> -> memref<1x128xi32, #tpu.memory_space<vmem>>
        %dma_wait3A_28 = tpu.memref_squeeze %dma_wait3A_27 : memref<1x128xi32, #tpu.memory_space<vmem>> -> memref<128xi32, #tpu.memory_space<vmem>>
        %dma_wait3A_29 = arith.constant 0 : i32
        %dma_wait3A_30 = arith.constant 0 : i32
        %dma_wait3A_31 = tpu.memref_slice %arg11[%dma_wait3A_29, %dma_wait3A_30] : memref<10112x32xf32, #tpu.memory_space<vmem_shared>> -> memref<10112x32xf32, #tpu.memory_space<vmem_shared>>
        tpu.wait_indirect_dma semaphore(%run_scoped3A : memref<!tpu.dma_semaphore, #tpu.memory_space<semaphore_mem>>) src(%arg9 : memref<128x32xf32, #tpu.memory_space<vmem>>) dst(%dma_wait3A_31 : memref<10112x32xf32, #tpu.memory_space<vmem_shared>>)
        tpu.yield
      }) : () -> ()
    }
    %scan3A_7 = arith.constant 80 : i32
    %barrier3A_8 = arith.constant 0 : index
    tpu.barrier barrier_id(%barrier3A_8)
    "tpu.region"() ({
      %run_scoped3A = tpu.sem_alloc : memref<!tpu.dma_semaphore, #tpu.memory_space<semaphore_mem>>
      %dma_start3A = arith.constant 0 : i32
      %dma_start3A_9 = tpu.memref_slice %arg6[%arg0, %mul3A_2, %dma_start3A] : memref<2x10112x32xf32, #tpu.memory_space<hbm>> -> memref<1x632x32xf32, #tpu.memory_space<hbm>>
      %dma_start3A_10 = tpu.memref_squeeze %dma_start3A_9 : memref<1x632x32xf32, #tpu.memory_space<hbm>> -> memref<632x32xf32, #tpu.memory_space<hbm>>
      %dma_start3A_11 = arith.constant 0 : i32
      %dma_start3A_12 = tpu.memref_slice %arg11[%mul3A_2, %dma_start3A_11] : memref<10112x32xf32, #tpu.memory_space<vmem_shared>> -> memref<632x32xf32, #tpu.memory_space<vmem_shared>>
      tpu.enqueue_dma source(%dma_start3A_12 : memref<632x32xf32, #tpu.memory_space<vmem_shared>>) target(%dma_start3A_10 : memref<632x32xf32, #tpu.memory_space<hbm>>) target_semaphore(%run_scoped3A : memref<!tpu.dma_semaphore, #tpu.memory_space<semaphore_mem>>)
      %dma_wait3A = arith.constant 0 : i32
      %dma_wait3A_13 = tpu.memref_slice %arg6[%arg0, %mul3A_2, %dma_wait3A] : memref<2x10112x32xf32, #tpu.memory_space<hbm>> -> memref<1x632x32xf32, #tpu.memory_space<hbm>>
      %dma_wait3A_14 = tpu.memref_squeeze %dma_wait3A_13 : memref<1x632x32xf32, #tpu.memory_space<hbm>> -> memref<632x32xf32, #tpu.memory_space<hbm>>
      %dma_wait3A_15 = arith.constant 0 : i32
      %dma_wait3A_16 = tpu.memref_slice %arg11[%mul3A_2, %dma_wait3A_15] : memref<10112x32xf32, #tpu.memory_space<vmem_shared>> -> memref<632x32xf32, #tpu.memory_space<vmem_shared>>
      tpu.wait_dma2 semaphore(%run_scoped3A : memref<!tpu.dma_semaphore, #tpu.memory_space<semaphore_mem>>) src(%dma_wait3A_16 : memref<632x32xf32, #tpu.memory_space<vmem_shared>>) dst(%dma_wait3A_14 : memref<632x32xf32, #tpu.memory_space<hbm>>)
      tpu.yield
    }) : () -> ()
    return
  }
}

module attributes {stable_mosaic.version = 14 : i64} {
  func.func @_tc_first_body(%arg0: memref<10112x128xf32, #tpu.memory_space<vmem>>, %arg1: memref<32x128xf32, #tpu.memory_space<vmem>>, %arg2: memref<32x128xf32, #tpu.memory_space<vmem>>, %arg3: memref<10112x48xf32, #tpu.memory_space<vmem>>, %arg4: memref<10112x32xf32, #tpu.memory_space<vmem>>) attributes {dimension_semantics = [], scalar_prefetch = 0 : i64, scratch_operands = 0 : i64, tpu.core_type = #tpu.core_type<tc>} {
    %get3A = arith.constant 0 : index
    %get3A_0 = arith.constant 0 : index
    %get3A_1 = vector.load %arg0[%get3A, %get3A_0] : memref<10112x128xf32, #tpu.memory_space<vmem>>, vector<10112x128xf32>
    %get3A_2 = arith.constant 0 : index
    %get3A_3 = arith.constant 0 : index
    %get3A_4 = vector.load %arg1[%get3A_2, %get3A_3] : memref<32x128xf32, #tpu.memory_space<vmem>>, vector<32x128xf32>
    %dot_general3A = arith.constant dense<0.000000e+00> : vector<10112x32xf32>
    %dot_general3A_5 = tpu.matmul %get3A_1, %get3A_4, %dot_general3A {dimension_numbers = #tpu.dot_dimension_numbers<[1], [1], [0], [0], [0, 0, 1, 0], [], []>, transpose_lhs_hint = false} : vector<10112x128xf32>, vector<32x128xf32>, vector<10112x32xf32> -> vector<10112x32xf32>
    %broadcast_in_dim3A = arith.constant 1.000000e+00 : f32
    %broadcast_in_dim3A_6 = vector.broadcast %broadcast_in_dim3A : f32 to vector<10112x1xf32>
    %broadcast_in_dim3A_7 = arith.constant 0.000000e+00 : f32
    %broadcast_in_dim3A_8 = vector.broadcast %broadcast_in_dim3A_7 : f32 to vector<10112x15xf32>
    %concatenate3A = tpu.concatenate %dot_general3A_5, %broadcast_in_dim3A_6, %broadcast_in_dim3A_8 in 1 : vector<10112x32xf32>, vector<10112x1xf32>, vector<10112x15xf32> -> vector<10112x48xf32>
    %swap3A = arith.constant 0 : index
    %swap3A_9 = arith.constant 0 : index
    %swap3A_10 = vector.load %arg3[%swap3A, %swap3A_9] : memref<10112x48xf32, #tpu.memory_space<vmem>>, vector<10112x48xf32>
    tpu.vector_store %arg3[%swap3A, %swap3A_9], %concatenate3A {strides = array<i32>} : memref<10112x48xf32, #tpu.memory_space<vmem>>, vector<10112x48xf32>,
    %get3A_11 = arith.constant 0 : index
    %get3A_12 = arith.constant 0 : index
    %get3A_13 = vector.load %arg2[%get3A_11, %get3A_12] : memref<32x128xf32, #tpu.memory_space<vmem>>, vector<32x128xf32>
    %dot_general3A_14 = arith.constant dense<0.000000e+00> : vector<10112x32xf32>
    %dot_general3A_15 = tpu.matmul %get3A_1, %get3A_13, %dot_general3A_14 {dimension_numbers = #tpu.dot_dimension_numbers<[1], [1], [0], [0], [0, 0, 1, 0], [], []>, transpose_lhs_hint = false} : vector<10112x128xf32>, vector<32x128xf32>, vector<10112x32xf32> -> vector<10112x32xf32>
    %swap3A_16 = arith.constant 0 : index
    %swap3A_17 = arith.constant 0 : index
    %swap3A_18 = vector.load %arg4[%swap3A_16, %swap3A_17] : memref<10112x32xf32, #tpu.memory_space<vmem>>, vector<10112x32xf32>
    tpu.vector_store %arg4[%swap3A_16, %swap3A_17], %dot_general3A_15 {strides = array<i32>} : memref<10112x32xf32, #tpu.memory_space<vmem>>, vector<10112x32xf32>,
    return
  }
}

module attributes {stable_mosaic.version = 14 : i64} {
  func.func @_tc_mid1_body(%arg0: memref<2x10112x48xf32, #tpu.memory_space<vmem>>, %arg1: memref<10112x32xf32, #tpu.memory_space<vmem>>, %arg2: memref<1x32xf32, #tpu.memory_space<vmem>>, %arg3: memref<32x32xf32, #tpu.memory_space<vmem>>, %arg4: memref<32x32xf32, #tpu.memory_space<vmem>>, %arg5: memref<10112x32xf32, #tpu.memory_space<vmem>>, %arg6: memref<10112x32xf32, #tpu.memory_space<vmem>>, %arg7: memref<10112x1xf32, #tpu.memory_space<vmem>>) attributes {dimension_semantics = [], scalar_prefetch = 0 : i64, scratch_operands = 0 : i64, tpu.core_type = #tpu.core_type<tc>} {
    %get3A = arith.constant 0 : index
    %get3A_0 = arith.constant 0 : index
    %get3A_1 = arith.constant 0 : index
    %get3A_2 = vector.load %arg0[%get3A, %get3A_0, %get3A_1] : memref<2x10112x48xf32, #tpu.memory_space<vmem>>, vector<2x10112x48xf32>
    %slice3A = vector.extract_strided_slice %get3A_2 {offsets = [0, 0, 0], sizes = [1, 10112, 48], strides = [1, 1, 1]} : vector<2x10112x48xf32> to vector<1x10112x48xf32>
    %squeeze3A = vector.shape_cast %slice3A : vector<1x10112x48xf32> to vector<10112x48xf32>
    %slice3A_3 = vector.extract_strided_slice %get3A_2 {offsets = [1, 0, 0], sizes = [1, 10112, 48], strides = [1, 1, 1]} : vector<2x10112x48xf32> to vector<1x10112x48xf32>
    %squeeze3A_4 = vector.shape_cast %slice3A_3 : vector<1x10112x48xf32> to vector<10112x48xf32>
    %add3A = arith.addf %squeeze3A, %squeeze3A_4 : vector<10112x48xf32>
    %slice3A_5 = vector.extract_strided_slice %add3A {offsets = [0, 32], sizes = [10112, 1], strides = [1, 1]} : vector<10112x48xf32> to vector<10112x1xf32>
    %max3A = arith.constant 1.000000e+00 : f32
    %max3A_6 = vector.broadcast %max3A : f32 to vector<10112x1xf32>
    %max3A_7 = arith.maximumf %slice3A_5, %max3A_6 : vector<10112x1xf32>
    %slice3A_8 = vector.extract_strided_slice %add3A {offsets = [0, 0], sizes = [10112, 32], strides = [1, 1]} : vector<10112x48xf32> to vector<10112x32xf32>
    %div3A = vector.broadcast %max3A_7 : vector<10112x1xf32> to vector<10112x32xf32>
    %div3A_9 = arith.divf %slice3A_8, %div3A : vector<10112x32xf32>
    %get3A_10 = arith.constant 0 : index
    %get3A_11 = arith.constant 0 : index
    %get3A_12 = vector.load %arg2[%get3A_10, %get3A_11] : memref<1x32xf32, #tpu.memory_space<vmem>>, vector<1x32xf32>
    %add3A_13 = vector.broadcast %get3A_12 : vector<1x32xf32> to vector<10112x32xf32>
    %add3A_14 = arith.addf %div3A_9, %add3A_13 : vector<10112x32xf32>
    %get3A_15 = arith.constant 0 : index
    %get3A_16 = arith.constant 0 : index
    %get3A_17 = vector.load %arg1[%get3A_15, %get3A_16] : memref<10112x32xf32, #tpu.memory_space<vmem>>, vector<10112x32xf32>
    %add3A_18 = arith.addf %add3A_14, %get3A_17 : vector<10112x32xf32>
    %gt3A = arith.constant 0.000000e+00 : f32
    %gt3A_19 = vector.broadcast %gt3A : f32 to vector<10112x32xf32>
    %gt3A_20 = arith.cmpf ogt, %add3A_18, %gt3A_19 : vector<10112x32xf32>
    %min3A = arith.constant 0.000000e+00 : f32
    %min3A_21 = vector.broadcast %min3A : f32 to vector<10112x32xf32>
    %min3A_22 = arith.minimumf %add3A_18, %min3A_21 : vector<10112x32xf32>
    %exp3A = math.exp %min3A_22 : vector<10112x32xf32>
    %sub3A = arith.constant 1.000000e+00 : f32
    %sub3A_23 = vector.broadcast %sub3A : f32 to vector<10112x32xf32>
    %sub3A_24 = arith.subf %exp3A, %sub3A_23 : vector<10112x32xf32>
    %select_n3A = arith.select %gt3A_20, %add3A_18, %sub3A_24 : vector<10112x32xi1>, vector<10112x32xf32>
    %get3A_25 = arith.constant 0 : index
    %get3A_26 = arith.constant 0 : index
    %get3A_27 = vector.load %arg3[%get3A_25, %get3A_26] : memref<32x32xf32, #tpu.memory_space<vmem>>, vector<32x32xf32>
    %dot_general3A = arith.constant dense<0.000000e+00> : vector<10112x32xf32>
    %dot_general3A_28 = tpu.matmul %select_n3A, %get3A_27, %dot_general3A {dimension_numbers = #tpu.dot_dimension_numbers<[1], [1], [0], [0], [0, 0, 1, 0], [], []>, transpose_lhs_hint = false} : vector<10112x32xf32>, vector<32x32xf32>, vector<10112x32xf32> -> vector<10112x32xf32>
    %swap3A = arith.constant 0 : index
    %swap3A_29 = arith.constant 0 : index
    %swap3A_30 = vector.load %arg5[%swap3A, %swap3A_29] : memref<10112x32xf32, #tpu.memory_space<vmem>>, vector<10112x32xf32>
    tpu.vector_store %arg5[%swap3A, %swap3A_29], %dot_general3A_28 {strides = array<i32>} : memref<10112x32xf32, #tpu.memory_space<vmem>>, vector<10112x32xf32>,
    %get3A_31 = arith.constant 0 : index
    %get3A_32 = arith.constant 0 : index
    %get3A_33 = vector.load %arg4[%get3A_31, %get3A_32] : memref<32x32xf32, #tpu.memory_space<vmem>>, vector<32x32xf32>
    %dot_general3A_34 = arith.constant dense<0.000000e+00> : vector<10112x32xf32>
    %dot_general3A_35 = tpu.matmul %select_n3A, %get3A_33, %dot_general3A_34 {dimension_numbers = #tpu.dot_dimension_numbers<[1], [1], [0], [0], [0, 0, 1, 0], [], []>, transpose_lhs_hint = false} : vector<10112x32xf32>, vector<32x32xf32>, vector<10112x32xf32> -> vector<10112x32xf32>
    %swap3A_36 = arith.constant 0 : index
    %swap3A_37 = arith.constant 0 : index
    %swap3A_38 = vector.load %arg6[%swap3A_36, %swap3A_37] : memref<10112x32xf32, #tpu.memory_space<vmem>>, vector<10112x32xf32>
    tpu.vector_store %arg6[%swap3A_36, %swap3A_37], %dot_general3A_35 {strides = array<i32>} : memref<10112x32xf32, #tpu.memory_space<vmem>>, vector<10112x32xf32>,
    %swap3A_39 = arith.constant 0 : index
    %swap3A_40 = arith.constant 0 : index
    %swap3A_41 = vector.load %arg7[%swap3A_39, %swap3A_40] : memref<10112x1xf32, #tpu.memory_space<vmem>>, vector<10112x1xf32>
    tpu.vector_store %arg7[%swap3A_39, %swap3A_40], %max3A_7 {strides = array<i32>} : memref<10112x1xf32, #tpu.memory_space<vmem>>, vector<10112x1xf32>,
    return
  }
}

module attributes {stable_mosaic.version = 14 : i64} {
  func.func @_tc_mid2_body(%arg0: memref<2x10112x32xf32, #tpu.memory_space<vmem>>, %arg1: memref<10112x1xf32, #tpu.memory_space<vmem>>, %arg2: memref<10112x32xf32, #tpu.memory_space<vmem>>, %arg3: memref<1x32xf32, #tpu.memory_space<vmem>>, %arg4: memref<32x32xf32, #tpu.memory_space<vmem>>, %arg5: memref<32x32xf32, #tpu.memory_space<vmem>>, %arg6: memref<10112x32xf32, #tpu.memory_space<vmem>>, %arg7: memref<10112x32xf32, #tpu.memory_space<vmem>>) attributes {dimension_semantics = [], scalar_prefetch = 0 : i64, scratch_operands = 0 : i64, tpu.core_type = #tpu.core_type<tc>} {
    %get3A = arith.constant 0 : index
    %get3A_0 = arith.constant 0 : index
    %get3A_1 = arith.constant 0 : index
    %get3A_2 = vector.load %arg0[%get3A, %get3A_0, %get3A_1] : memref<2x10112x32xf32, #tpu.memory_space<vmem>>, vector<2x10112x32xf32>
    %slice3A = vector.extract_strided_slice %get3A_2 {offsets = [0, 0, 0], sizes = [1, 10112, 32], strides = [1, 1, 1]} : vector<2x10112x32xf32> to vector<1x10112x32xf32>
    %squeeze3A = vector.shape_cast %slice3A : vector<1x10112x32xf32> to vector<10112x32xf32>
    %slice3A_3 = vector.extract_strided_slice %get3A_2 {offsets = [1, 0, 0], sizes = [1, 10112, 32], strides = [1, 1, 1]} : vector<2x10112x32xf32> to vector<1x10112x32xf32>
    %squeeze3A_4 = vector.shape_cast %slice3A_3 : vector<1x10112x32xf32> to vector<10112x32xf32>
    %add3A = arith.addf %squeeze3A, %squeeze3A_4 : vector<10112x32xf32>
    %get3A_5 = arith.constant 0 : index
    %get3A_6 = arith.constant 0 : index
    %get3A_7 = vector.load %arg1[%get3A_5, %get3A_6] : memref<10112x1xf32, #tpu.memory_space<vmem>>, vector<10112x1xf32>
    %div3A = vector.broadcast %get3A_7 : vector<10112x1xf32> to vector<10112x32xf32>
    %div3A_8 = arith.divf %add3A, %div3A : vector<10112x32xf32>
    %get3A_9 = arith.constant 0 : index
    %get3A_10 = arith.constant 0 : index
    %get3A_11 = vector.load %arg3[%get3A_9, %get3A_10] : memref<1x32xf32, #tpu.memory_space<vmem>>, vector<1x32xf32>
    %add3A_12 = vector.broadcast %get3A_11 : vector<1x32xf32> to vector<10112x32xf32>
    %add3A_13 = arith.addf %div3A_8, %add3A_12 : vector<10112x32xf32>
    %get3A_14 = arith.constant 0 : index
    %get3A_15 = arith.constant 0 : index
    %get3A_16 = vector.load %arg2[%get3A_14, %get3A_15] : memref<10112x32xf32, #tpu.memory_space<vmem>>, vector<10112x32xf32>
    %add3A_17 = arith.addf %add3A_13, %get3A_16 : vector<10112x32xf32>
    %gt3A = arith.constant 0.000000e+00 : f32
    %gt3A_18 = vector.broadcast %gt3A : f32 to vector<10112x32xf32>
    %gt3A_19 = arith.cmpf ogt, %add3A_17, %gt3A_18 : vector<10112x32xf32>
    %min3A = arith.constant 0.000000e+00 : f32
    %min3A_20 = vector.broadcast %min3A : f32 to vector<10112x32xf32>
    %min3A_21 = arith.minimumf %add3A_17, %min3A_20 : vector<10112x32xf32>
    %exp3A = math.exp %min3A_21 : vector<10112x32xf32>
    %sub3A = arith.constant 1.000000e+00 : f32
    %sub3A_22 = vector.broadcast %sub3A : f32 to vector<10112x32xf32>
    %sub3A_23 = arith.subf %exp3A, %sub3A_22 : vector<10112x32xf32>
    %select_n3A = arith.select %gt3A_19, %add3A_17, %sub3A_23 : vector<10112x32xi1>, vector<10112x32xf32>
    %get3A_24 = arith.constant 0 : index
    %get3A_25 = arith.constant 0 : index
    %get3A_26 = vector.load %arg4[%get3A_24, %get3A_25] : memref<32x32xf32, #tpu.memory_space<vmem>>, vector<32x32xf32>
    %dot_general3A = arith.constant dense<0.000000e+00> : vector<10112x32xf32>
    %dot_general3A_27 = tpu.matmul %select_n3A, %get3A_26, %dot_general3A {dimension_numbers = #tpu.dot_dimension_numbers<[1], [1], [0], [0], [0, 0, 1, 0], [], []>, transpose_lhs_hint = false} : vector<10112x32xf32>, vector<32x32xf32>, vector<10112x32xf32> -> vector<10112x32xf32>
    %swap3A = arith.constant 0 : index
    %swap3A_28 = arith.constant 0 : index
    %swap3A_29 = vector.load %arg6[%swap3A, %swap3A_28] : memref<10112x32xf32, #tpu.memory_space<vmem>>, vector<10112x32xf32>
    tpu.vector_store %arg6[%swap3A, %swap3A_28], %dot_general3A_27 {strides = array<i32>} : memref<10112x32xf32, #tpu.memory_space<vmem>>, vector<10112x32xf32>,
    %get3A_30 = arith.constant 0 : index
    %get3A_31 = arith.constant 0 : index
    %get3A_32 = vector.load %arg5[%get3A_30, %get3A_31] : memref<32x32xf32, #tpu.memory_space<vmem>>, vector<32x32xf32>
    %dot_general3A_33 = arith.constant dense<0.000000e+00> : vector<10112x32xf32>
    %dot_general3A_34 = tpu.matmul %select_n3A, %get3A_32, %dot_general3A_33 {dimension_numbers = #tpu.dot_dimension_numbers<[1], [1], [0], [0], [0, 0, 1, 0], [], []>, transpose_lhs_hint = false} : vector<10112x32xf32>, vector<32x32xf32>, vector<10112x32xf32> -> vector<10112x32xf32>
    %swap3A_35 = arith.constant 0 : index
    %swap3A_36 = arith.constant 0 : index
    %swap3A_37 = vector.load %arg7[%swap3A_35, %swap3A_36] : memref<10112x32xf32, #tpu.memory_space<vmem>>, vector<10112x32xf32>
    tpu.vector_store %arg7[%swap3A_35, %swap3A_36], %dot_general3A_34 {strides = array<i32>} : memref<10112x32xf32, #tpu.memory_space<vmem>>, vector<10112x32xf32>,
    return
  }
}

module attributes {stable_mosaic.version = 14 : i64} {
  func.func @_tc_last_body(%arg0: memref<2x10112x32xf32, #tpu.memory_space<vmem>>, %arg1: memref<10112x1xf32, #tpu.memory_space<vmem>>, %arg2: memref<10112x32xf32, #tpu.memory_space<vmem>>, %arg3: memref<1x32xf32, #tpu.memory_space<vmem>>, %arg4: memref<10112x1xi32, #tpu.memory_space<vmem>>, %arg5: memref<2x32xf32, #tpu.memory_space<vmem>>, %arg6: memref<1x2xf32, #tpu.memory_space<vmem>>, %arg7: memref<64x2xf32, #tpu.memory_space<vmem>>) attributes {dimension_semantics = [], scalar_prefetch = 0 : i64, scratch_operands = 0 : i64, tpu.core_type = #tpu.core_type<tc>} {
    %get3A = arith.constant 0 : index
    %get3A_0 = arith.constant 0 : index
    %get3A_1 = arith.constant 0 : index
    %get3A_2 = vector.load %arg0[%get3A, %get3A_0, %get3A_1] : memref<2x10112x32xf32, #tpu.memory_space<vmem>>, vector<2x10112x32xf32>
    %slice3A = vector.extract_strided_slice %get3A_2 {offsets = [0, 0, 0], sizes = [1, 10112, 32], strides = [1, 1, 1]} : vector<2x10112x32xf32> to vector<1x10112x32xf32>
    %squeeze3A = vector.shape_cast %slice3A : vector<1x10112x32xf32> to vector<10112x32xf32>
    %slice3A_3 = vector.extract_strided_slice %get3A_2 {offsets = [1, 0, 0], sizes = [1, 10112, 32], strides = [1, 1, 1]} : vector<2x10112x32xf32> to vector<1x10112x32xf32>
    %squeeze3A_4 = vector.shape_cast %slice3A_3 : vector<1x10112x32xf32> to vector<10112x32xf32>
    %add3A = arith.addf %squeeze3A, %squeeze3A_4 : vector<10112x32xf32>
    %get3A_5 = arith.constant 0 : index
    %get3A_6 = arith.constant 0 : index
    %get3A_7 = vector.load %arg1[%get3A_5, %get3A_6] : memref<10112x1xf32, #tpu.memory_space<vmem>>, vector<10112x1xf32>
    %div3A = vector.broadcast %get3A_7 : vector<10112x1xf32> to vector<10112x32xf32>
    %div3A_8 = arith.divf %add3A, %div3A : vector<10112x32xf32>
    %get3A_9 = arith.constant 0 : index
    %get3A_10 = arith.constant 0 : index
    %get3A_11 = vector.load %arg3[%get3A_9, %get3A_10] : memref<1x32xf32, #tpu.memory_space<vmem>>, vector<1x32xf32>
    %add3A_12 = vector.broadcast %get3A_11 : vector<1x32xf32> to vector<10112x32xf32>
    %add3A_13 = arith.addf %div3A_8, %add3A_12 : vector<10112x32xf32>
    %get3A_14 = arith.constant 0 : index
    %get3A_15 = arith.constant 0 : index
    %get3A_16 = vector.load %arg2[%get3A_14, %get3A_15] : memref<10112x32xf32, #tpu.memory_space<vmem>>, vector<10112x32xf32>
    %add3A_17 = arith.addf %add3A_13, %get3A_16 : vector<10112x32xf32>
    %gt3A = arith.constant 0.000000e+00 : f32
    %gt3A_18 = vector.broadcast %gt3A : f32 to vector<10112x32xf32>
    %gt3A_19 = arith.cmpf ogt, %add3A_17, %gt3A_18 : vector<10112x32xf32>
    %min3A = arith.constant 0.000000e+00 : f32
    %min3A_20 = vector.broadcast %min3A : f32 to vector<10112x32xf32>
    %min3A_21 = arith.minimumf %add3A_17, %min3A_20 : vector<10112x32xf32>
    %exp3A = math.exp %min3A_21 : vector<10112x32xf32>
    %sub3A = arith.constant 1.000000e+00 : f32
    %sub3A_22 = vector.broadcast %sub3A : f32 to vector<10112x32xf32>
    %sub3A_23 = arith.subf %exp3A, %sub3A_22 : vector<10112x32xf32>
    %select_n3A = arith.select %gt3A_19, %add3A_17, %sub3A_23 : vector<10112x32xi1>, vector<10112x32xf32>
    %get3A_24 = arith.constant 0 : index
    %get3A_25 = arith.constant 0 : index
    %get3A_26 = vector.load %arg4[%get3A_24, %get3A_25] : memref<10112x1xi32, #tpu.memory_space<vmem>>, vector<10112x1xi32>
    %iota3A = tpu.iota {dimensions = array<i32: 1>} : vector<1x64xi32>
    %eq3A = vector.broadcast %get3A_26 : vector<10112x1xi32> to vector<10112x64xi32>
    %eq3A_27 = vector.broadcast %iota3A : vector<1x64xi32> to vector<10112x64xi32>
    %eq3A_28 = arith.cmpi eq, %eq3A, %eq3A_27 : vector<10112x64xi32>
    %convert_element_type3A = arith.extui %eq3A_28 : vector<10112x64xi1> to vector<10112x64xi32>
    %convert_element_type3A_29 = arith.sitofp %convert_element_type3A : vector<10112x64xi32> to vector<10112x64xf32>
    %broadcast_in_dim3A = arith.constant 1.000000e+00 : f32
    %broadcast_in_dim3A_30 = vector.broadcast %broadcast_in_dim3A : f32 to vector<10112x1xf32>
    %concatenate3A = tpu.concatenate %select_n3A, %broadcast_in_dim3A_30 in 1 : vector<10112x32xf32>, vector<10112x1xf32> -> vector<10112x33xf32>
    %dot_general3A = arith.constant dense<0.000000e+00> : vector<64x33xf32>
    %dot_general3A_31 = tpu.matmul %convert_element_type3A_29, %concatenate3A, %dot_general3A {dimension_numbers = #tpu.dot_dimension_numbers<[0], [0], [1], [1], [0, 1, 1, 1], [], []>, transpose_lhs_hint = false} : vector<10112x64xf32>, vector<10112x33xf32>, vector<64x33xf32> -> vector<64x33xf32>
    %slice3A_32 = vector.extract_strided_slice %dot_general3A_31 {offsets = [0, 0], sizes = [64, 32], strides = [1, 1]} : vector<64x33xf32> to vector<64x32xf32>
    %slice3A_33 = vector.extract_strided_slice %dot_general3A_31 {offsets = [0, 32], sizes = [64, 1], strides = [1, 1]} : vector<64x33xf32> to vector<64x1xf32>
    %max3A = arith.constant 1.000000e+00 : f32
    %max3A_34 = vector.broadcast %max3A : f32 to vector<64x1xf32>
    %max3A_35 = arith.maximumf %slice3A_33, %max3A_34 : vector<64x1xf32>
    %div3A_36 = vector.broadcast %max3A_35 : vector<64x1xf32> to vector<64x32xf32>
    %div3A_37 = arith.divf %slice3A_32, %div3A_36 : vector<64x32xf32>
    %get3A_38 = arith.constant 0 : index
    %get3A_39 = arith.constant 0 : index
    %get3A_40 = vector.load %arg5[%get3A_38, %get3A_39] : memref<2x32xf32, #tpu.memory_space<vmem>>, vector<2x32xf32>
    %dot_general3A_41 = arith.constant dense<0.000000e+00> : vector<64x2xf32>
    %dot_general3A_42 = tpu.matmul %div3A_37, %get3A_40, %dot_general3A_41 {dimension_numbers = #tpu.dot_dimension_numbers<[1], [1], [0], [0], [0, 0, 1, 0], [], []>, transpose_lhs_hint = false} : vector<64x32xf32>, vector<2x32xf32>, vector<64x2xf32> -> vector<64x2xf32>
    %get3A_43 = arith.constant 0 : index
    %get3A_44 = arith.constant 0 : index
    %get3A_45 = vector.load %arg6[%get3A_43, %get3A_44] : memref<1x2xf32, #tpu.memory_space<vmem>>, vector<1x2xf32>
    %add3A_46 = vector.broadcast %get3A_45 : vector<1x2xf32> to vector<64x2xf32>
    %add3A_47 = arith.addf %dot_general3A_42, %add3A_46 : vector<64x2xf32>
    %reduce_max3A = arith.constant dense<0xFF800000> : vector<64xf32>
    %reduce_max3A_48 = vector.multi_reduction <maximumf>, %add3A_47, %reduce_max3A [1] : vector<64x2xf32> to vector<64xf32>
    %broadcast_in_dim3A_49 = vector.shape_cast %reduce_max3A_48 : vector<64xf32> to vector<64x1xf32>
    %sub3A_50 = vector.broadcast %broadcast_in_dim3A_49 : vector<64x1xf32> to vector<64x2xf32>
    %sub3A_51 = arith.subf %add3A_47, %sub3A_50 : vector<64x2xf32>
    %exp3A_52 = math.exp %sub3A_51 : vector<64x2xf32>
    %reduce_sum3A = arith.constant dense<0.000000e+00> : vector<64xf32>
    %reduce_sum3A_53 = vector.multi_reduction <add>, %exp3A_52, %reduce_sum3A [1] : vector<64x2xf32> to vector<64xf32>
    %broadcast_in_dim3A_54 = vector.shape_cast %reduce_sum3A_53 : vector<64xf32> to vector<64x1xf32>
    %log3A = math.log %broadcast_in_dim3A_54 : vector<64x1xf32>
    %add3A_55 = arith.addf %broadcast_in_dim3A_49, %log3A : vector<64x1xf32>
    %sub3A_56 = vector.broadcast %add3A_55 : vector<64x1xf32> to vector<64x2xf32>
    %sub3A_57 = arith.subf %add3A_47, %sub3A_56 : vector<64x2xf32>
    %swap3A = arith.constant 0 : index
    %swap3A_58 = arith.constant 0 : index
    %swap3A_59 = vector.load %arg7[%swap3A, %swap3A_58] : memref<64x2xf32, #tpu.memory_space<vmem>>, vector<64x2xf32>
    tpu.vector_store %arg7[%swap3A, %swap3A_58], %sub3A_57 {strides = array<i32>} : memref<64x2xf32, #tpu.memory_space<vmem>>, vector<64x2xf32>,
    return
  }
}

</mosaic_0001>

<sc_bundles>
// kernel: kernel.12.cloned.1.call-start
scs
__scs_entry_jumppad:
0x0: {  	(pc) =	sbr.rel $0x88, $3  }
0x1: {  	(tag) =	ssettag $0x0;
	lr =	simm.s32 $0x1  }
0x2: {  	[smem:$0x3F93] =	sst lr;
	_ =	strace $0xD0000000  }
0x3: {  	_ = 	snop  }
0x4: {  	_ = 	snop  }
0x5: {  	_ = 	snop  }
0x6: {  	_ = 	snop  }
0x7: {  	_ = 	snop  }
__scs_overlays_trampoline_lowered:
0x8: {  	[smem:$0x3FA2] =	sst s0  }
0x9: {  	[smem:$0x3FA3] =	sst s1  }
0xa: {  	[smem:$0x3FA4] =	sst s2  }
0xb: {  	[smem:$0x3FA5] =	sst s3  }
0xc: {  	[smem:$0x3FA6] =	sst s4  }
0xd: {  	[smem:$0x3FA7] =	sst s5  }
0xe: {  	[smem:$0x3FA8] =	sst s6  }
0xf: {  	[smem:$0x3FA9] =	sst s7  }
0x10: {  	[smem:$0x3FAA] =	sst s8  }
0x11: {  	[smem:$0x3FAB] =	sst s9;
	s0 =	simm.s32 @!p0 $0x0  }
0x12: {  	s1 =	sld [smem:$0x3F91];
	s0 =	simm.s32 @p0 $0x1  }
0x13: {  	[smem:$0x3FAC] =	sst s0;
	s0 =	simm.s32 @!p1 $0x0  }
0x14: {  	s2 =	sld [smem:$0x3F90];
	s0 =	simm.s32 @p1 $0x1  }
0x15: {  	[smem:$0x3FAD] =	sst s0;
	s0 =	simm.s32 @!p2 $0x0  }
0x16: {  	s3 =	sld [smem:$0x3FDB];
	s0 =	simm.s32 @p2 $0x1  }
0x17: {  	s4 =	simm.s32 $0x1BF5;
	[smem:$0x3FAF] =	sst s0  }
0x18: {  	s0 =	sld [smem:$0x3F92];
	_ =	swait.ge [sflag:s4], $0x0  }
0x19: {  	s7 =	sld [smem:$0x3F93]  }
0x1a: {  	s8 =	sadd.s32 $0xFFFFE003, lr  }
0x1b: {  	s9 =	sadd.s32 $0xFFFFFEF7, lr;
	s5 =	simm.s32 $0xFFFFFFFF;
	p2 =	slt.u32 s8, $0xFFFFF086  }
0x1c: {  	p1 =	slt.u32 s9, $0xF7A;
	s5 =	simm.s32 @!p2 $0x0  }
0x1d: {  	s5 =	simm.s32 @p1 $0x1;
	p0 =	seq.s32 s7, s2  }
0x1e: {  	s7 =	smul.u32 @!p0 $0xF7A, s2;
	p2 =	seq.s32 @!p0 s5, $0x0  }
0x1f: {  	s9 =	smul.u32 $0xF7A, s1;
	s8 =	simm.s32 @!p0 $0x1BF5;
	p2 =	por !p2, p0  }
0x20: {  	[sflag:s8] =	ssyncset.s32 @!p0 $0xFFFFF086;
	s6 =	sadd.s32 @!p0 s3, s7;
	s7 =	simm.s32 @!p0 $0x108  }
0x21: {  	s3 =	sadd.s32 s3, s9;
	s6 =	sadd.s32 @!p0 $0x88, s6;
	s7 =	simm.s32 @p2 $0x1082  }
0x22: {  	[simem:s7], [sflag:s8] =	dma.local @!p0 [hbm:s6], $0xF7A  }
0x23: {  	s9 =	sor.u32 $0xD0000000, s2;
	s6 =	simm.s32 $0x108;
	_ =	swait.ge @!p0 [sflag:s8], $0x0  }
0x24: {  	s3 =	sadd.s32 $0x88, s3;
	s6 =	simm.s32 @!p1 $0x1082;
	[sflag:s4] =	ssyncset.s32 $0xFFFFF086  }
0x25: {  	[simem:s6], [sflag:s4] =	dma.local [hbm:s3], $0xF7A  }
0x26: {  	[smem:$0x3F93] =	sst s1;
	(tag) =	ssettag s2;
	_ =	strace s9  }
0x27: {  	s1 =	sld [smem:$0x3FA3]  }
0x28: {  	s2 =	sld [smem:$0x3FA4]  }
0x29: {  	s4 =	sld [smem:$0x3FA6]  }
0x2a: {  	p0 =	seq.s32 s5, $0x0;
	s5 =	sld [smem:$0x3FA7]  }
0x2b: {  	s6 =	sld [smem:$0x3FA8]  }
0x2c: {  	s7 =	sld [smem:$0x3FA9]  }
0x2d: {  	s3 =	simm.s32 $0x108;
	s8 =	sld [smem:$0x3FAA]  }
0x2e: {  	s3 =	simm.s32 @!p0 $0x1082;
	s9 =	sld [smem:$0x3FAB]  }
0x2f: {  	lr =	sadd.s32 s0, s3;
	s0 =	sld [smem:$0x3FA2]  }
0x30: {  	s3 =	sld [smem:$0x3FA5]  }
0x31: {  	[smem:$0x3FAE] =	sst s10  }
0x32: {  	s10 =	sld [smem:$0x3FAC];
	_ =	sdelay $0x3  }
0x33: {  	p0 =	seq.s32 s10, $0x1;
	s10 =	sld [smem:$0x3FAE];
	_ =	sdelay $0x3  }
0x34: {  	[smem:$0x3FAE] =	sst s10  }
0x35: {  	s10 =	sld [smem:$0x3FAD];
	_ =	sdelay $0x3  }
0x36: {  	p1 =	seq.s32 s10, $0x1;
	s10 =	sld [smem:$0x3FAE];
	_ =	sdelay $0x3  }
0x37: {  	[smem:$0x3FAE] =	sst s10  }
0x38: {  	s10 =	sld [smem:$0x3FAF]  }
0x39: {  	_ = 	snop;
	(pc) =	sbr.ind lr, $3  }
0x3a: {  	_ = 	snop  }
0x3b: {  	_ = 	snop  }
0x3c: {  	p2 =	seq.s32 s10, $0x1;
	s10 =	sld [smem:$0x3FAE]  }
0x3d: {  	_ =	shalt  }
0x3e: {  	_ =	shalt  }
0x3f: {  	_ =	shalt  }
0x40: {  	_ =	shalt  }
0x41: {  	_ =	shalt  }
0x42: {  	_ =	shalt  }
0x43: {  	_ =	shalt  }
0x44: {  	_ =	shalt  }
0x45: {  	_ =	shalt  }
0x46: {  	_ =	shalt  }
0x47: {  	_ =	shalt  }
0x48: {  	_ =	shalt  }
0x49: {  	_ =	shalt  }
0x4a: {  	_ =	shalt  }
0x4b: {  	_ =	shalt  }
0x4c: {  	_ =	shalt  }
0x4d: {  	_ =	shalt  }
0x4e: {  	_ =	shalt  }
0x4f: {  	_ =	shalt  }
0x50: {  	_ =	shalt  }
0x51: {  	_ =	shalt  }
0x52: {  	_ =	shalt  }
0x53: {  	_ =	shalt  }
0x54: {  	_ =	shalt  }
0x55: {  	_ =	shalt  }
0x56: {  	_ =	shalt  }
0x57: {  	_ =	shalt  }
0x58: {  	_ =	shalt  }
0x59: {  	_ =	shalt  }
0x5a: {  	_ =	shalt  }
0x5b: {  	_ =	shalt  }
0x5c: {  	_ =	shalt  }
0x5d: {  	_ =	shalt  }
0x5e: {  	_ =	shalt  }
0x5f: {  	_ =	shalt  }
0x60: {  	_ =	shalt  }
0x61: {  	_ =	shalt  }
0x62: {  	_ =	shalt  }
0x63: {  	_ =	shalt  }
0x64: {  	_ =	shalt  }
0x65: {  	_ =	shalt  }
0x66: {  	_ =	shalt  }
0x67: {  	_ =	shalt  }
0x68: {  	_ =	shalt  }
0x69: {  	_ =	shalt  }
0x6a: {  	_ =	shalt  }
0x6b: {  	_ =	shalt  }
0x6c: {  	_ =	shalt  }
0x6d: {  	_ =	shalt  }
0x6e: {  	_ =	shalt  }
0x6f: {  	_ =	shalt  }
0x70: {  	_ =	shalt  }
0x71: {  	_ =	shalt  }
0x72: {  	_ =	shalt  }
0x73: {  	_ =	shalt  }
0x74: {  	_ =	shalt  }
0x75: {  	_ =	shalt  }
0x76: {  	_ =	shalt  }
0x77: {  	_ =	shalt  }
0x78: {  	_ =	shalt  }
0x79: {  	_ =	shalt  }
0x7a: {  	_ =	shalt  }
0x7b: {  	_ =	shalt  }
0x7c: {  	_ =	shalt  }
0x7d: {  	_ =	shalt  }
0x7e: {  	_ =	shalt  }
0x7f: {  	_ =	shalt  }
0x80: {  	_ =	shalt  }
0x81: {  	_ =	shalt  }
0x82: {  	_ =	shalt  }
0x83: {  	_ =	shalt  }
0x84: {  	_ =	shalt  }
0x85: {  	_ =	shalt  }
0x86: {  	_ =	shalt  }
0x87: {  	_ =	shalt  }
.Lfunc_end0:
.L_simem_size_0:
called_computation.1_lowered:
.L_overlay_start_0:
0x88: {  	s2 =	sld [smem:$0x3FD9]  }
0x89: {  	s3 =	sld [smem:$0x3FFE];
	_ =	sdelay $0x1  }
0x8a: {  	s1 =	srdreg.scid  }
0x8b: {  	s0 =	sand.u32 $0x1, s1  }
0x8c: {  	s16 =	sshll.u32 s0, $0xA;
	s2 =	sadd.s32 s3, s2  }
0x8d: {  	s2 =	sadd.s32 s2, s16  }
0x8e: {  	[smem:$0x3FBA] =	sst s2  }
0x8f: {  	_ = 	snop  }
0x90: {  	(tm) =	ssettm $0x1  }
0x91: {  	s17 =	sld [smem:$0x3FFB];
	_ =	sdelay $0x3  }
0x92: {  	_ =	strace s17  }
0x93: {  	s2 =	sld [smem:$0x3FFC];
	_ =	sdelay $0x3  }
0x94: {  	_ =	strace s2  }
0x95: {  	s2 =	sld [smem:$0x3FFD];
	_ =	sdelay $0x3  }
0x96: {  	_ =	strace s2  }
0x97: {  	_ =	strace $0x8FFFFFFF  }
0x98: {  	s18 =	sld [smem:$0x3FDB];
	_ =	sdelay $0x1  }
0x99: {  	s19 =	simm.s32 $_scs_section_size  }
0x9a: {  	s4 =	simm.s32 $_size__tile_overlayer_lowered;
	s5 =	simm.s32 $_tile_overlayer_lowered  }
0x9b: {  	s22 =	simm.s32 $0x1BFF;
	s21 =	sshll.u32 s5, $0x1;
	s2 =	sadd.s32 s19, s18  }
0x9c: {  	s6 =	simm.s32 $0x0;
	s20 =	sshll.u32 s4, $0x1;
	s4 =	sadd.s32 s21, s2  }
0x9d: {  	[timem:s6], [sflag:s22] =	dma.local [hbm:s4], s20  }
0x9e: {  	_ =	swait.ge [sflag:s22], s20  }
0x9f: {  	s3 =	ssub.s32 $0x0, s20;
	[sflag:s22] =	ssyncset.done $0x0  }
0xa0: {  	[sflag:s22] =	ssyncadd.s32 s3;
	_ =	sdelay $0x1  }
0xa1: {  	s23 =	simm.s32 $0x1B8B  }
0xa2: {  	_ =	swait.ge [sflag:s23], $0x1  }
0xa3: {  	[sflag:s23] =	ssyncset.done $0x0  }
0xa4: {  	s25 =	simm.s32 $0x1B8E;
	s24 =	sld [smem:$0x3FFE];
	[sflag:s23] =	ssyncadd.s32 $0xFFFFFFFF  }
0xa5: {  	s26 =	simm.s32 $execute0_lowered;
	[smem:$0x3FD2] =	sst s25  }
0xa6: {  	s4 =	sshll.u32 s26, $0x1;
	_ =	strace $0x80000049;
	[dreg:$0x1] =	wrdreg $0xFFFFFFFF  }
0xa7: {  	s28 =	simm.s32 $_size_execute0_lowered;
	s2 =	sadd.s32 s2, s4;
	[dreg:$0x0] =	wrdreg $0x0  }
0xa8: {  	s4 =	sshll.u32 s28, $0x1;
	[dreg:$0x2] =	wrdreg s2  }
0xa9: {  	[dreg:$0x3] =	wrdreg s4  }
0xaa: {  	[dreg:$0x4] =	wrdreg $0xC0  }
0xab: {  	_ =	task [dreg:s6], $0x5FFFF  }
0xac: {  	[dreg:$0x1] =	wrdreg $0xFFFFFFFF  }
0xad: {  	[dreg:$0x0] =	wrdreg $0x60  }
0xae: {  	[dreg:$0x2] =	wrdreg s24  }
0xaf: {  	[dreg:$0x3] =	wrdreg $0x60000  }
0xb0: {  	[dreg:$0x4] =	wrdreg $0x9  }
0xb1: {  	_ =	task.clear_ibuf [dreg:s6], $0x5FFFF;
	_ =	strace $0x90000049  }
0xb2: {  	s29 =	simm.s32 $0x9;
	_ =	strace $0x8000004B  }
0xb3: {  	_ =	swait.ge [sflag:s29], $0x1  }
0xb4: {  	[sflag:s29] =	ssyncadd.s32 $0xFFFFFFFF  }
0xb5: {  	_ =	strace $0x9000004B  }
0xb6: {  	_ =	sfence  }
0xb7: {  	s30 =	sld [smem:$0x0];
	_ =	sdelay $0x2  }
0xb8: {  	s31 =	sshll.u32 s1, $0xD;
	s1 =	sshrl.u32 s1, $0x2  }
0xb9: {  	s3 =	sand.u32 $0x4000, s31;
	s1 =	sadd.s32 s1, s30  }
0xba: {  	s0 =	sor.u32 s3, s0;
	s1 =	sshll.u32 s1, $0x11  }
0xbb: {  	s0 =	sor.u32 s1, s0  }
0xbc: {  	s0 =	sadd.s32 $0x8F2B, s0  }
0xbd: {  	[sflag:s0] =	ssyncadd.remote.s32 $0x1  }
0xbe: {  	_ =	sfence.sel $0xFFFF  }
0xbf: {  	[dreg:$0x0] =	wrdreg $0xFFFFFFFF;
	(pc) =	sbr.abs _section_cstart, $3  }
0xc0: {  	[dreg:$0x1] =	wrdreg $0xFFFFFFFF  }
0xc1: {  	_ =	task.clear_ibuf [dreg:s6], $0x2FFFF;
	_ =	strace $0x9FFFFFFF  }
0xc2: {  	(tm) =	ssettm $0x7FFFFFFF  }
0xc3: {  	_ =	shalt  }
tec
execute0_lowered:
.L_overlay_start_1:
0x0: {  	(tag) =	ssettag $0x1  }
0x1: {  	s1 =	srdreg.scid  }
0x2: {  	s0 =	stileid.u32;
	s6 =	rddreg [dreg:$0x0]  }
0x3: {  	s2 =	rddreg [dreg:$0x1];
	s3 =	simm.s32 $0x0;
	s14 =	simm.s32 $0x80  }
0x4: {  	s15 =	simm.s32 $0x5000;
	s16 =	simm.s32 $0x1;
	s17 =	simm.s32 $0x0  }
0x5: {  	s5 =	sand.u32 $0x1, s1;
	s28 =	sshll.u32 s0, $0x1;
	s8 =	smul.u32 $0x4F00, s0  }
0x6: {  	[smem:$0x7FF] =	sst s3;
	s4 =	sadd.s32 $0x2400, s6;
	s31 =	sshll.u32 s0, $0x6  }
0x7: {  	s1 =	sor.u32 s5, s28;
	s9 =	smul.u32 $0x4F000, s5;
	s5 =	ssub.s32 $0x2, s5  }
0x8: {  	s7 =	smul.u32 $0x500, s1;
	s1 =	rddreg [dreg:$0x2];
	_ =	strace $0x8000004A  }
0x9: {  	s30 =	sshrl.u32 s8, $0x3;
	s11 =	sshrl.u32 s5, $0x1;
	s13 =	sadd.s32 s8, s2  }
0xa: {  	s29 =	sadd.s32 s8, s9;
	s9 =	sadd.s32 s30, s6;
	s11 =	ssub.s32 s5, s11  }
0xb: {  	s10 =	sadd.s32 s7, s6;
	s7 =	sshrl.u32 s29, $0x3;
	s5 =	sadd.s32 $0x25200, s9  }
0xc: {  	s12 =	sadd.s32 s7, s6;
	s6 =	sor.u32 $0x1C02, s31;
	s7 =	sadd.s32 $0x1B200, s10  }
0xd: {  	s8 =	sadd.s32 $0x11200, s10;
	s10 =	smax.u32 s11, $0x1;
	s11 =	sshrl.u32 s13, $0x3  }
0xe: {  	s13 =	simm.s32 $0x2800;
	s9 =	sadd.s32 $0x2F000, s12;
	s12 =	simm.s32 $0x2  }
.LBB2_1:
0xf: {  	[spmem:s11], [sflag:s6] =	dma.local [hbm:s5], $0x9E0  }
0x10: {  	_ =	swait.ge [sflag:s12], $0x9E0  }
0x11: {  	[sflag:s12] =	ssyncset.done $0x0  }
0x12: {  	[sflag:s12] =	ssyncadd.s32 $0xFFFFF620  }
0x13: {  	[tilespmem:s3], [sflag:$0x2] =	stream.linear.gather [hbm4b:s7+s3], $0x2800, $0x38;
	[tilespmem:$0xAF00] =	vst v63  }
0x14: {  	_ =	swait.ge [sflag:s12], $0x2800  }
0x15: {  	[sflag:s12] =	ssyncset.done $0x0  }
0x16: {  	[sflag:s12] =	ssyncadd.s32 $0xFFFFD800  }
0x17: {  	[tilespmem:s13], [sflag:$0x2] =	stream.linear.gather [hbm4b:s8+s3], $0x2800, $0x38;
	[tilespmem:$0xAF00] =	vst v63  }
0x18: {  	_ =	swait.ge [sflag:s12], $0x2800  }
0x19: {  	[sflag:s12] =	ssyncset.done $0x0  }
0x1a: {  	[sflag:s12] =	ssyncadd.s32 $0xFFFFD800  }
0x1b: {  	s18 =	simm.s32 $0x0;
	[bflag:$0x0] =	sbarrier.arrive $0xFFFF  }
0x1c: {  	[tilespmem:s15], [sflag:$0x1] =	stream.indirect.gather [hbm4b:s4+s14], $0x20, s18, s14, $0xb8;
	[tilespmem:$0xAF00] =	vst v63  }
0x1d: {  	_ =	swait.ge [sflag:s16], $0x1000  }
0x1e: {  	[sflag:s16] =	ssyncset.done $0x0  }
0x1f: {  	s31 =	simm.s32 $0x2800;
	[sflag:s16] =	ssyncadd.s32 $0xFFFFF000  }
0x20: {  	[spmem:s2] =	stream.indirect.scatter.add.f32 [tilespmem:s15], [sflag:$0x2], $0x20, s31, s14, $0xb8;
	[tilespmem:$0xAF00] =	vst v63  }
0x21: {  	_ =	swait.ge [sflag:s12], $0x1000  }
0x22: {  	s19 =	simm.s32 $0x400;
	s18 =	simm.s32 $0x200;
	[sflag:s12] =	ssyncset.done $0x0  }
.LBB2_2:
0x23: {  	s20 =	sshra.s32 s18, $0x2  }
0x24: {  	[sflag:s12] =	ssyncadd.s32 $0xFFFFF000;
	s18 =	smov.u32 s19;
	s21 =	sadd.s32 $0x200, s19  }
0x25: {  	[tilespmem:s15], [sflag:$0x1] =	stream.indirect.gather [hbm4b:s4+s14], $0x20, s20, s14, $0xb8;
	[tilespmem:$0xAF00] =	vst v63  }
0x26: {  	p0 =	sne.s32 s19, $0x9E00;
	_ =	swait.ge [sflag:s16], $0x1000  }
.Ltmp0:
0x27: {  	[sflag:s16] =	ssyncset.done $0x0;
	(pc) =	sbr.rel @p0 .LBB2_2-.Ltmp0, $4  }
0x28: {  	s19 =	sadd.s32 $0x2800, s20;
	[sflag:s16] =	ssyncadd.s32 $0xFFFFF000  }
0x29: {  	[spmem:s2] =	stream.indirect.scatter.add.f32 [tilespmem:s15], [sflag:$0x2], $0x20, s19, s14, $0xb8;
	[tilespmem:$0xAF00] =	vst v63  }
0x2a: {  	_ =	swait.ge [sflag:s12], $0x1000  }
0x2b: {  	s19 =	smov.u32 s21;
	[sflag:s12] =	ssyncset.done $0x0  }
0x2c: {  	s18 =	sshra.s32 s18, $0x2;
	[sflag:s12] =	ssyncadd.s32 $0xFFFFF000  }
0x2d: {  	[tilespmem:s15], [sflag:$0x1] =	stream.indirect.gather [hbm4b:s4+s14], $0x20, s18, s14, $0xb8;
	[tilespmem:$0xAF00] =	vst v63  }
0x2e: {  	_ =	swait.ge [sflag:s16], $0x1000  }
0x2f: {  	[sflag:s16] =	ssyncset.done $0x0  }
0x30: {  	s18 =	sadd.s32 $0x2800, s18;
	[sflag:s16] =	ssyncadd.s32 $0xFFFFF000  }
0x31: {  	[spmem:s2] =	stream.indirect.scatter.add.f32 [tilespmem:s15], [sflag:$0x2], $0x20, s18, s14, $0xb8;
	[tilespmem:$0xAF00] =	vst v63  }
0x32: {  	_ =	swait.ge [sflag:s12], $0x1000  }
0x33: {  	s17 =	sadd.s32 $0x1, s17;
	[sflag:s12] =	ssyncset.done $0x0  }
0x34: {  	p0 =	sne.s32 s17, s10;
	[sflag:s12] =	ssyncadd.s32 $0xFFFFF000  }
.Ltmp1:
0x35: {  	[bflag:$0x0] =	sbarrier.arrive $0xFFFF;
	(pc) =	sbr.rel @p0 .LBB2_1-.Ltmp1, $4  }
0x36: {  	[hbm:s9], [sflag:s6] =	dma.local [spmem:s11], $0x9E0  }
0x37: {  	_ =	swait.ge [sflag:s12], $0x9E0  }
0x38: {  	[sflag:s12] =	ssyncset.done $0x0  }
0x39: {  	[sflag:s12] =	ssyncadd.s32 $0xFFFFF620  }
0x3a: {  	_ =	sfence.sel $0x180000  }
0x3b: {  	[bflag:$0x0] =	sbarrier.arrive $0xFFFF  }
0x3c: {  	p0 =	sne.s32 s0, $0x0;
	_ =	strace $0x9000004A  }
0x3d: {  	s0 =	sadd.s32 @!p0 $0x100000, s1;
	[bflag:$0x2] =	sbarrier.arrive $0xFFFF  }
0x3e: {  	[sflag:s0] =	ssyncadd.tile.s32 @!p0 $0x1;
	_ =	shalt  }
.Lfunc_end2:
_tile_overlayer_lowered:
.L_overlay_start_2:
0x3f: {  	(tag) =	ssettag $0x2  }
0x40: {  	s0 =	rddreg [dreg:$0x0];
	s2 =	stileid.u32  }
0x41: {  	s1 =	rddreg [dreg:$0x1];
	p0 =	sne.s32 s2, $0x0  }
0x42: {  	s3 =	rddreg [dreg:$0x2];
	[bflag:$0x3] =	sbarrier.arrive $0xFFFF;
	s2 =	simm.s32 @!p0 $0x1C02  }
0x43: {  	[timem:s3], [sflag:s2] =	dma.local @!p0 [hbm:s0], s1  }
0x44: {  	s0 =	simm.s32 @!p0 $0x2  }
0x45: {  	_ =	swait.ge @!p0 [sflag:s0], s1  }
0x46: {  	s1 =	ssub.s32 @!p0 $0x0, s1;
	[sflag:s0] =	ssyncset.done @!p0 $0x0  }
0x47: {  	[sflag:s0] =	ssyncadd.s32 @!p0 s1  }
0x48: {  	[bflag:$0x3] =	sbarrier.arrive $0xFFFF  }
0x49: {  	_ =	shalt  }

// kernel: kernel.15.cloned.1.call-start
scs
__scs_entry_jumppad:
0x0: {  	(pc) =	sbr.rel $0x88, $3  }
0x1: {  	(tag) =	ssettag $0x0;
	lr =	simm.s32 $0x1  }
0x2: {  	[smem:$0x3F93] =	sst lr;
	_ =	strace $0xD0000000  }
0x3: {  	_ = 	snop  }
0x4: {  	_ = 	snop  }
0x5: {  	_ = 	snop  }
0x6: {  	_ = 	snop  }
0x7: {  	_ = 	snop  }
__scs_overlays_trampoline_lowered:
0x8: {  	[smem:$0x3FA2] =	sst s0  }
0x9: {  	[smem:$0x3FA3] =	sst s1  }
0xa: {  	[smem:$0x3FA4] =	sst s2  }
0xb: {  	[smem:$0x3FA5] =	sst s3  }
0xc: {  	[smem:$0x3FA6] =	sst s4  }
0xd: {  	[smem:$0x3FA7] =	sst s5  }
0xe: {  	[smem:$0x3FA8] =	sst s6  }
0xf: {  	[smem:$0x3FA9] =	sst s7  }
0x10: {  	[smem:$0x3FAA] =	sst s8  }
0x11: {  	[smem:$0x3FAB] =	sst s9;
	s0 =	simm.s32 @!p0 $0x0  }
0x12: {  	s1 =	sld [smem:$0x3F91];
	s0 =	simm.s32 @p0 $0x1  }
0x13: {  	[smem:$0x3FAC] =	sst s0;
	s0 =	simm.s32 @!p1 $0x0  }
0x14: {  	s2 =	sld [smem:$0x3F90];
	s0 =	simm.s32 @p1 $0x1  }
0x15: {  	[smem:$0x3FAD] =	sst s0;
	s0 =	simm.s32 @!p2 $0x0  }
0x16: {  	s3 =	sld [smem:$0x3FDB];
	s0 =	simm.s32 @p2 $0x1  }
0x17: {  	s4 =	simm.s32 $0x1BF5;
	[smem:$0x3FAF] =	sst s0  }
0x18: {  	s0 =	sld [smem:$0x3F92];
	_ =	swait.ge [sflag:s4], $0x0  }
0x19: {  	s7 =	sld [smem:$0x3F93]  }
0x1a: {  	s8 =	sadd.s32 $0xFFFFE003, lr  }
0x1b: {  	s9 =	sadd.s32 $0xFFFFFEF7, lr;
	s5 =	simm.s32 $0xFFFFFFFF;
	p2 =	slt.u32 s8, $0xFFFFF086  }
0x1c: {  	p1 =	slt.u32 s9, $0xF7A;
	s5 =	simm.s32 @!p2 $0x0  }
0x1d: {  	s5 =	simm.s32 @p1 $0x1;
	p0 =	seq.s32 s7, s2  }
0x1e: {  	s7 =	smul.u32 @!p0 $0xF7A, s2;
	p2 =	seq.s32 @!p0 s5, $0x0  }
0x1f: {  	s9 =	smul.u32 $0xF7A, s1;
	s8 =	simm.s32 @!p0 $0x1BF5;
	p2 =	por !p2, p0  }
0x20: {  	[sflag:s8] =	ssyncset.s32 @!p0 $0xFFFFF086;
	s6 =	sadd.s32 @!p0 s3, s7;
	s7 =	simm.s32 @!p0 $0x108  }
0x21: {  	s3 =	sadd.s32 s3, s9;
	s6 =	sadd.s32 @!p0 $0x88, s6;
	s7 =	simm.s32 @p2 $0x1082  }
0x22: {  	[simem:s7], [sflag:s8] =	dma.local @!p0 [hbm:s6], $0xF7A  }
0x23: {  	s9 =	sor.u32 $0xD0000000, s2;
	s6 =	simm.s32 $0x108;
	_ =	swait.ge @!p0 [sflag:s8], $0x0  }
0x24: {  	s3 =	sadd.s32 $0x88, s3;
	s6 =	simm.s32 @!p1 $0x1082;
	[sflag:s4] =	ssyncset.s32 $0xFFFFF086  }
0x25: {  	[simem:s6], [sflag:s4] =	dma.local [hbm:s3], $0xF7A  }
0x26: {  	[smem:$0x3F93] =	sst s1;
	(tag) =	ssettag s2;
	_ =	strace s9  }
0x27: {  	s1 =	sld [smem:$0x3FA3]  }
0x28: {  	s2 =	sld [smem:$0x3FA4]  }
0x29: {  	s4 =	sld [smem:$0x3FA6]  }
0x2a: {  	p0 =	seq.s32 s5, $0x0;
	s5 =	sld [smem:$0x3FA7]  }
0x2b: {  	s6 =	sld [smem:$0x3FA8]  }
0x2c: {  	s7 =	sld [smem:$0x3FA9]  }
0x2d: {  	s3 =	simm.s32 $0x108;
	s8 =	sld [smem:$0x3FAA]  }
0x2e: {  	s3 =	simm.s32 @!p0 $0x1082;
	s9 =	sld [smem:$0x3FAB]  }
0x2f: {  	lr =	sadd.s32 s0, s3;
	s0 =	sld [smem:$0x3FA2]  }
0x30: {  	s3 =	sld [smem:$0x3FA5]  }
0x31: {  	[smem:$0x3FAE] =	sst s10  }
0x32: {  	s10 =	sld [smem:$0x3FAC];
	_ =	sdelay $0x3  }
0x33: {  	p0 =	seq.s32 s10, $0x1;
	s10 =	sld [smem:$0x3FAE];
	_ =	sdelay $0x3  }
0x34: {  	[smem:$0x3FAE] =	sst s10  }
0x35: {  	s10 =	sld [smem:$0x3FAD];
	_ =	sdelay $0x3  }
0x36: {  	p1 =	seq.s32 s10, $0x1;
	s10 =	sld [smem:$0x3FAE];
	_ =	sdelay $0x3  }
0x37: {  	[smem:$0x3FAE] =	sst s10  }
0x38: {  	s10 =	sld [smem:$0x3FAF]  }
0x39: {  	_ = 	snop;
	(pc) =	sbr.ind lr, $3  }
0x3a: {  	_ = 	snop  }
0x3b: {  	_ = 	snop  }
0x3c: {  	p2 =	seq.s32 s10, $0x1;
	s10 =	sld [smem:$0x3FAE]  }
0x3d: {  	_ =	shalt  }
0x3e: {  	_ =	shalt  }
0x3f: {  	_ =	shalt  }
0x40: {  	_ =	shalt  }
0x41: {  	_ =	shalt  }
0x42: {  	_ =	shalt  }
0x43: {  	_ =	shalt  }
0x44: {  	_ =	shalt  }
0x45: {  	_ =	shalt  }
0x46: {  	_ =	shalt  }
0x47: {  	_ =	shalt  }
0x48: {  	_ =	shalt  }
0x49: {  	_ =	shalt  }
0x4a: {  	_ =	shalt  }
0x4b: {  	_ =	shalt  }
0x4c: {  	_ =	shalt  }
0x4d: {  	_ =	shalt  }
0x4e: {  	_ =	shalt  }
0x4f: {  	_ =	shalt  }
0x50: {  	_ =	shalt  }
0x51: {  	_ =	shalt  }
0x52: {  	_ =	shalt  }
0x53: {  	_ =	shalt  }
0x54: {  	_ =	shalt  }
0x55: {  	_ =	shalt  }
0x56: {  	_ =	shalt  }
0x57: {  	_ =	shalt  }
0x58: {  	_ =	shalt  }
0x59: {  	_ =	shalt  }
0x5a: {  	_ =	shalt  }
0x5b: {  	_ =	shalt  }
0x5c: {  	_ =	shalt  }
0x5d: {  	_ =	shalt  }
0x5e: {  	_ =	shalt  }
0x5f: {  	_ =	shalt  }
0x60: {  	_ =	shalt  }
0x61: {  	_ =	shalt  }
0x62: {  	_ =	shalt  }
0x63: {  	_ =	shalt  }
0x64: {  	_ =	shalt  }
0x65: {  	_ =	shalt  }
0x66: {  	_ =	shalt  }
0x67: {  	_ =	shalt  }
0x68: {  	_ =	shalt  }
0x69: {  	_ =	shalt  }
0x6a: {  	_ =	shalt  }
0x6b: {  	_ =	shalt  }
0x6c: {  	_ =	shalt  }
0x6d: {  	_ =	shalt  }
0x6e: {  	_ =	shalt  }
0x6f: {  	_ =	shalt  }
0x70: {  	_ =	shalt  }
0x71: {  	_ =	shalt  }
0x72: {  	_ =	shalt  }
0x73: {  	_ =	shalt  }
0x74: {  	_ =	shalt  }
0x75: {  	_ =	shalt  }
0x76: {  	_ =	shalt  }
0x77: {  	_ =	shalt  }
0x78: {  	_ =	shalt  }
0x79: {  	_ =	shalt  }
0x7a: {  	_ =	shalt  }
0x7b: {  	_ =	shalt  }
0x7c: {  	_ =	shalt  }
0x7d: {  	_ =	shalt  }
0x7e: {  	_ =	shalt  }
0x7f: {  	_ =	shalt  }
0x80: {  	_ =	shalt  }
0x81: {  	_ =	shalt  }
0x82: {  	_ =	shalt  }
0x83: {  	_ =	shalt  }
0x84: {  	_ =	shalt  }
0x85: {  	_ =	shalt  }
0x86: {  	_ =	shalt  }
0x87: {  	_ =	shalt  }
.Lfunc_end0:
.L_simem_size_0:
called_computation.2_lowered:
.L_overlay_start_0:
0x88: {  	s2 =	sld [smem:$0x3FD9]  }
0x89: {  	s3 =	sld [smem:$0x3FFE];
	_ =	sdelay $0x1  }
0x8a: {  	s1 =	srdreg.scid  }
0x8b: {  	s0 =	sand.u32 $0x1, s1  }
0x8c: {  	s16 =	sshll.u32 s0, $0xA;
	s2 =	sadd.s32 s3, s2  }
0x8d: {  	s2 =	sadd.s32 s2, s16  }
0x8e: {  	[smem:$0x3FBA] =	sst s2  }
0x8f: {  	_ = 	snop  }
0x90: {  	(tm) =	ssettm $0x1  }
0x91: {  	s17 =	sld [smem:$0x3FFB];
	_ =	sdelay $0x3  }
0x92: {  	_ =	strace s17  }
0x93: {  	s2 =	sld [smem:$0x3FFC];
	_ =	sdelay $0x3  }
0x94: {  	_ =	strace s2  }
0x95: {  	s2 =	sld [smem:$0x3FFD];
	_ =	sdelay $0x3  }
0x96: {  	_ =	strace s2  }
0x97: {  	_ =	strace $0x8FFFFFFF  }
0x98: {  	s18 =	sld [smem:$0x3FDB];
	_ =	sdelay $0x1  }
0x99: {  	s19 =	simm.s32 $_scs_section_size  }
0x9a: {  	s4 =	simm.s32 $_size__tile_overlayer_lowered;
	s5 =	simm.s32 $_tile_overlayer_lowered  }
0x9b: {  	s22 =	simm.s32 $0x1BFF;
	s21 =	sshll.u32 s5, $0x1;
	s2 =	sadd.s32 s19, s18  }
0x9c: {  	s6 =	simm.s32 $0x0;
	s20 =	sshll.u32 s4, $0x1;
	s4 =	sadd.s32 s21, s2  }
0x9d: {  	[timem:s6], [sflag:s22] =	dma.local [hbm:s4], s20  }
0x9e: {  	_ =	swait.ge [sflag:s22], s20  }
0x9f: {  	s3 =	ssub.s32 $0x0, s20;
	[sflag:s22] =	ssyncset.done $0x0  }
0xa0: {  	[sflag:s22] =	ssyncadd.s32 s3;
	_ =	sdelay $0x1  }
0xa1: {  	s23 =	simm.s32 $0x1B8B  }
0xa2: {  	_ =	swait.ge [sflag:s23], $0x1  }
0xa3: {  	[sflag:s23] =	ssyncset.done $0x0  }
0xa4: {  	s25 =	simm.s32 $0x1B8E;
	s24 =	sld [smem:$0x3FFE];
	[sflag:s23] =	ssyncadd.s32 $0xFFFFFFFF  }
0xa5: {  	s26 =	simm.s32 $execute0_lowered;
	[smem:$0x3FD2] =	sst s25  }
0xa6: {  	s4 =	sshll.u32 s26, $0x1;
	_ =	strace $0x8000004C;
	[dreg:$0x1] =	wrdreg $0xFFFFFFFF  }
0xa7: {  	s28 =	simm.s32 $_size_execute0_lowered;
	s2 =	sadd.s32 s2, s4;
	[dreg:$0x0] =	wrdreg $0x0  }
0xa8: {  	s4 =	sshll.u32 s28, $0x1;
	[dreg:$0x2] =	wrdreg s2  }
0xa9: {  	[dreg:$0x3] =	wrdreg s4  }
0xaa: {  	[dreg:$0x4] =	wrdreg $0xC0  }
0xab: {  	_ =	task [dreg:s6], $0x5FFFF  }
0xac: {  	[dreg:$0x1] =	wrdreg $0xFFFFFFFF  }
0xad: {  	[dreg:$0x0] =	wrdreg $0x60  }
0xae: {  	[dreg:$0x2] =	wrdreg s24  }
0xaf: {  	[dreg:$0x3] =	wrdreg $0x60000  }
0xb0: {  	[dreg:$0x4] =	wrdreg $0x9  }
0xb1: {  	_ =	task.clear_ibuf [dreg:s6], $0x5FFFF;
	_ =	strace $0x9000004C  }
0xb2: {  	s29 =	simm.s32 $0x9;
	_ =	strace $0x8000004E  }
0xb3: {  	_ =	swait.ge [sflag:s29], $0x1  }
0xb4: {  	[sflag:s29] =	ssyncadd.s32 $0xFFFFFFFF  }
0xb5: {  	_ =	strace $0x9000004E  }
0xb6: {  	_ =	sfence  }
0xb7: {  	s30 =	sld [smem:$0x0];
	_ =	sdelay $0x2  }
0xb8: {  	s31 =	sshll.u32 s1, $0xD;
	s1 =	sshrl.u32 s1, $0x2  }
0xb9: {  	s3 =	sand.u32 $0x4000, s31;
	s1 =	sadd.s32 s1, s30  }
0xba: {  	s0 =	sor.u32 s3, s0;
	s1 =	sshll.u32 s1, $0x11  }
0xbb: {  	s0 =	sor.u32 s1, s0  }
0xbc: {  	s0 =	sadd.s32 $0x8F2B, s0  }
0xbd: {  	[sflag:s0] =	ssyncadd.remote.s32 $0x1  }
0xbe: {  	_ =	sfence.sel $0xFFFF  }
0xbf: {  	[dreg:$0x0] =	wrdreg $0xFFFFFFFF;
	(pc) =	sbr.abs _section_cstart, $3  }
0xc0: {  	[dreg:$0x1] =	wrdreg $0xFFFFFFFF  }
0xc1: {  	_ =	task.clear_ibuf [dreg:s6], $0x2FFFF;
	_ =	strace $0x9FFFFFFF  }
0xc2: {  	(tm) =	ssettm $0x7FFFFFFF  }
0xc3: {  	_ =	shalt  }
tec
execute0_lowered:
.L_overlay_start_1:
0x0: {  	(tag) =	ssettag $0x1  }
0x1: {  	s1 =	srdreg.scid  }
0x2: {  	s0 =	stileid.u32;
	s6 =	rddreg [dreg:$0x0]  }
0x3: {  	s2 =	rddreg [dreg:$0x1];
	s3 =	simm.s32 $0x0;
	s14 =	simm.s32 $0x80  }
0x4: {  	s15 =	simm.s32 $0x5000;
	s16 =	simm.s32 $0x1;
	s17 =	simm.s32 $0x0  }
0x5: {  	s5 =	sand.u32 $0x1, s1;
	s28 =	sshll.u32 s0, $0x1;
	s8 =	smul.u32 $0x4F00, s0  }
0x6: {  	[smem:$0x7FF] =	sst s3;
	s4 =	sadd.s32 $0x2400, s6;
	s31 =	sshll.u32 s0, $0x6  }
0x7: {  	s1 =	sor.u32 s5, s28;
	s9 =	smul.u32 $0x4F000, s5;
	s5 =	ssub.s32 $0x2, s5  }
0x8: {  	s7 =	smul.u32 $0x500, s1;
	s1 =	rddreg [dreg:$0x2];
	_ =	strace $0x8000004D  }
0x9: {  	s30 =	sshrl.u32 s8, $0x3;
	s11 =	sshrl.u32 s5, $0x1;
	s13 =	sadd.s32 s8, s2  }
0xa: {  	s29 =	sadd.s32 s8, s9;
	s9 =	sadd.s32 s30, s6;
	s11 =	ssub.s32 s5, s11  }
0xb: {  	s10 =	sadd.s32 s7, s6;
	s7 =	sshrl.u32 s29, $0x3;
	s5 =	sadd.s32 $0x25200, s9  }
0xc: {  	s12 =	sadd.s32 s7, s6;
	s6 =	sor.u32 $0x1C02, s31;
	s7 =	sadd.s32 $0x1B200, s10  }
0xd: {  	s8 =	sadd.s32 $0x11200, s10;
	s10 =	smax.u32 s11, $0x1;
	s11 =	sshrl.u32 s13, $0x3  }
0xe: {  	s13 =	simm.s32 $0x2800;
	s9 =	sadd.s32 $0x2F000, s12;
	s12 =	simm.s32 $0x2  }
.LBB2_1:
0xf: {  	[spmem:s11], [sflag:s6] =	dma.local [hbm:s5], $0x9E0  }
0x10: {  	_ =	swait.ge [sflag:s12], $0x9E0  }
0x11: {  	[sflag:s12] =	ssyncset.done $0x0  }
0x12: {  	[sflag:s12] =	ssyncadd.s32 $0xFFFFF620  }
0x13: {  	[tilespmem:s3], [sflag:$0x2] =	stream.linear.gather [hbm4b:s7+s3], $0x2800, $0x38;
	[tilespmem:$0xAF00] =	vst v63  }
0x14: {  	_ =	swait.ge [sflag:s12], $0x2800  }
0x15: {  	[sflag:s12] =	ssyncset.done $0x0  }
0x16: {  	[sflag:s12] =	ssyncadd.s32 $0xFFFFD800  }
0x17: {  	[tilespmem:s13], [sflag:$0x2] =	stream.linear.gather [hbm4b:s8+s3], $0x2800, $0x38;
	[tilespmem:$0xAF00] =	vst v63  }
0x18: {  	_ =	swait.ge [sflag:s12], $0x2800  }
0x19: {  	[sflag:s12] =	ssyncset.done $0x0  }
0x1a: {  	[sflag:s12] =	ssyncadd.s32 $0xFFFFD800  }
0x1b: {  	s18 =	simm.s32 $0x0;
	[bflag:$0x0] =	sbarrier.arrive $0xFFFF  }
0x1c: {  	[tilespmem:s15], [sflag:$0x1] =	stream.indirect.gather [hbm4b:s4+s14], $0x20, s18, s14, $0xb8;
	[tilespmem:$0xAF00] =	vst v63  }
0x1d: {  	_ =	swait.ge [sflag:s16], $0x1000  }
0x1e: {  	[sflag:s16] =	ssyncset.done $0x0  }
0x1f: {  	s31 =	simm.s32 $0x2800;
	[sflag:s16] =	ssyncadd.s32 $0xFFFFF000  }
0x20: {  	[spmem:s2] =	stream.indirect.scatter.add.f32 [tilespmem:s15], [sflag:$0x2], $0x20, s31, s14, $0xb8;
	[tilespmem:$0xAF00] =	vst v63  }
0x21: {  	_ =	swait.ge [sflag:s12], $0x1000  }
0x22: {  	s19 =	simm.s32 $0x400;
	s18 =	simm.s32 $0x200;
	[sflag:s12] =	ssyncset.done $0x0  }
.LBB2_2:
0x23: {  	s20 =	sshra.s32 s18, $0x2  }
0x24: {  	[sflag:s12] =	ssyncadd.s32 $0xFFFFF000;
	s18 =	smov.u32 s19;
	s21 =	sadd.s32 $0x200, s19  }
0x25: {  	[tilespmem:s15], [sflag:$0x1] =	stream.indirect.gather [hbm4b:s4+s14], $0x20, s20, s14, $0xb8;
	[tilespmem:$0xAF00] =	vst v63  }
0x26: {  	p0 =	sne.s32 s19, $0x9E00;
	_ =	swait.ge [sflag:s16], $0x1000  }
.Ltmp0:
0x27: {  	[sflag:s16] =	ssyncset.done $0x0;
	(pc) =	sbr.rel @p0 .LBB2_2-.Ltmp0, $4  }
0x28: {  	s19 =	sadd.s32 $0x2800, s20;
	[sflag:s16] =	ssyncadd.s32 $0xFFFFF000  }
0x29: {  	[spmem:s2] =	stream.indirect.scatter.add.f32 [tilespmem:s15], [sflag:$0x2], $0x20, s19, s14, $0xb8;
	[tilespmem:$0xAF00] =	vst v63  }
0x2a: {  	_ =	swait.ge [sflag:s12], $0x1000  }
0x2b: {  	s19 =	smov.u32 s21;
	[sflag:s12] =	ssyncset.done $0x0  }
0x2c: {  	s18 =	sshra.s32 s18, $0x2;
	[sflag:s12] =	ssyncadd.s32 $0xFFFFF000  }
0x2d: {  	[tilespmem:s15], [sflag:$0x1] =	stream.indirect.gather [hbm4b:s4+s14], $0x20, s18, s14, $0xb8;
	[tilespmem:$0xAF00] =	vst v63  }
0x2e: {  	_ =	swait.ge [sflag:s16], $0x1000  }
0x2f: {  	[sflag:s16] =	ssyncset.done $0x0  }
0x30: {  	s18 =	sadd.s32 $0x2800, s18;
	[sflag:s16] =	ssyncadd.s32 $0xFFFFF000  }
0x31: {  	[spmem:s2] =	stream.indirect.scatter.add.f32 [tilespmem:s15], [sflag:$0x2], $0x20, s18, s14, $0xb8;
	[tilespmem:$0xAF00] =	vst v63  }
0x32: {  	_ =	swait.ge [sflag:s12], $0x1000  }
0x33: {  	s17 =	sadd.s32 $0x1, s17;
	[sflag:s12] =	ssyncset.done $0x0  }
0x34: {  	p0 =	sne.s32 s17, s10;
	[sflag:s12] =	ssyncadd.s32 $0xFFFFF000  }
.Ltmp1:
0x35: {  	[bflag:$0x0] =	sbarrier.arrive $0xFFFF;
	(pc) =	sbr.rel @p0 .LBB2_1-.Ltmp1, $4  }
0x36: {  	[hbm:s9], [sflag:s6] =	dma.local [spmem:s11], $0x9E0  }
0x37: {  	_ =	swait.ge [sflag:s12], $0x9E0  }
0x38: {  	[sflag:s12] =	ssyncset.done $0x0  }
0x39: {  	[sflag:s12] =	ssyncadd.s32 $0xFFFFF620  }
0x3a: {  	_ =	sfence.sel $0x180000  }
0x3b: {  	[bflag:$0x0] =	sbarrier.arrive $0xFFFF  }
0x3c: {  	p0 =	sne.s32 s0, $0x0;
	_ =	strace $0x9000004D  }
0x3d: {  	s0 =	sadd.s32 @!p0 $0x100000, s1;
	[bflag:$0x2] =	sbarrier.arrive $0xFFFF  }
0x3e: {  	[sflag:s0] =	ssyncadd.tile.s32 @!p0 $0x1;
	_ =	shalt  }
.Lfunc_end2:
_tile_overlayer_lowered:
.L_overlay_start_2:
0x3f: {  	(tag) =	ssettag $0x2  }
0x40: {  	s0 =	rddreg [dreg:$0x0];
	s2 =	stileid.u32  }
0x41: {  	s1 =	rddreg [dreg:$0x1];
	p0 =	sne.s32 s2, $0x0  }
0x42: {  	s3 =	rddreg [dreg:$0x2];
	[bflag:$0x3] =	sbarrier.arrive $0xFFFF;
	s2 =	simm.s32 @!p0 $0x1C02  }
0x43: {  	[timem:s3], [sflag:s2] =	dma.local @!p0 [hbm:s0], s1  }
0x44: {  	s0 =	simm.s32 @!p0 $0x2  }
0x45: {  	_ =	swait.ge @!p0 [sflag:s0], s1  }
0x46: {  	s1 =	ssub.s32 @!p0 $0x0, s1;
	[sflag:s0] =	ssyncset.done @!p0 $0x0  }
0x47: {  	[sflag:s0] =	ssyncadd.s32 @!p0 s1  }
0x48: {  	[bflag:$0x3] =	sbarrier.arrive $0xFFFF  }
0x49: {  	_ =	shalt  }

// kernel: kernel.9.cloned.1.call-start
scs
__scs_entry_jumppad:
0x0: {  	(pc) =	sbr.rel $0x88, $3  }
0x1: {  	(tag) =	ssettag $0x0;
	lr =	simm.s32 $0x1  }
0x2: {  	[smem:$0x3F93] =	sst lr;
	_ =	strace $0xD0000000  }
0x3: {  	_ = 	snop  }
0x4: {  	_ = 	snop  }
0x5: {  	_ = 	snop  }
0x6: {  	_ = 	snop  }
0x7: {  	_ = 	snop  }
__scs_overlays_trampoline_lowered:
0x8: {  	[smem:$0x3FA2] =	sst s0  }
0x9: {  	[smem:$0x3FA3] =	sst s1  }
0xa: {  	[smem:$0x3FA4] =	sst s2  }
0xb: {  	[smem:$0x3FA5] =	sst s3  }
0xc: {  	[smem:$0x3FA6] =	sst s4  }
0xd: {  	[smem:$0x3FA7] =	sst s5  }
0xe: {  	[smem:$0x3FA8] =	sst s6  }
0xf: {  	[smem:$0x3FA9] =	sst s7  }
0x10: {  	[smem:$0x3FAA] =	sst s8  }
0x11: {  	[smem:$0x3FAB] =	sst s9;
	s0 =	simm.s32 @!p0 $0x0  }
0x12: {  	s1 =	sld [smem:$0x3F91];
	s0 =	simm.s32 @p0 $0x1  }
0x13: {  	[smem:$0x3FAC] =	sst s0;
	s0 =	simm.s32 @!p1 $0x0  }
0x14: {  	s2 =	sld [smem:$0x3F90];
	s0 =	simm.s32 @p1 $0x1  }
0x15: {  	[smem:$0x3FAD] =	sst s0;
	s0 =	simm.s32 @!p2 $0x0  }
0x16: {  	s3 =	sld [smem:$0x3FDB];
	s0 =	simm.s32 @p2 $0x1  }
0x17: {  	s4 =	simm.s32 $0x1BF5;
	[smem:$0x3FAF] =	sst s0  }
0x18: {  	s0 =	sld [smem:$0x3F92];
	_ =	swait.ge [sflag:s4], $0x0  }
0x19: {  	s7 =	sld [smem:$0x3F93]  }
0x1a: {  	s8 =	sadd.s32 $0xFFFFE003, lr  }
0x1b: {  	s9 =	sadd.s32 $0xFFFFFEF7, lr;
	s5 =	simm.s32 $0xFFFFFFFF;
	p2 =	slt.u32 s8, $0xFFFFF086  }
0x1c: {  	p1 =	slt.u32 s9, $0xF7A;
	s5 =	simm.s32 @!p2 $0x0  }
0x1d: {  	s5 =	simm.s32 @p1 $0x1;
	p0 =	seq.s32 s7, s2  }
0x1e: {  	s7 =	smul.u32 @!p0 $0xF7A, s2;
	p2 =	seq.s32 @!p0 s5, $0x0  }
0x1f: {  	s9 =	smul.u32 $0xF7A, s1;
	s8 =	simm.s32 @!p0 $0x1BF5;
	p2 =	por !p2, p0  }
0x20: {  	[sflag:s8] =	ssyncset.s32 @!p0 $0xFFFFF086;
	s6 =	sadd.s32 @!p0 s3, s7;
	s7 =	simm.s32 @!p0 $0x108  }
0x21: {  	s3 =	sadd.s32 s3, s9;
	s6 =	sadd.s32 @!p0 $0x88, s6;
	s7 =	simm.s32 @p2 $0x1082  }
0x22: {  	[simem:s7], [sflag:s8] =	dma.local @!p0 [hbm:s6], $0xF7A  }
0x23: {  	s9 =	sor.u32 $0xD0000000, s2;
	s6 =	simm.s32 $0x108;
	_ =	swait.ge @!p0 [sflag:s8], $0x0  }
0x24: {  	s3 =	sadd.s32 $0x88, s3;
	s6 =	simm.s32 @!p1 $0x1082;
	[sflag:s4] =	ssyncset.s32 $0xFFFFF086  }
0x25: {  	[simem:s6], [sflag:s4] =	dma.local [hbm:s3], $0xF7A  }
0x26: {  	[smem:$0x3F93] =	sst s1;
	(tag) =	ssettag s2;
	_ =	strace s9  }
0x27: {  	s1 =	sld [smem:$0x3FA3]  }
0x28: {  	s2 =	sld [smem:$0x3FA4]  }
0x29: {  	s4 =	sld [smem:$0x3FA6]  }
0x2a: {  	p0 =	seq.s32 s5, $0x0;
	s5 =	sld [smem:$0x3FA7]  }
0x2b: {  	s6 =	sld [smem:$0x3FA8]  }
0x2c: {  	s7 =	sld [smem:$0x3FA9]  }
0x2d: {  	s3 =	simm.s32 $0x108;
	s8 =	sld [smem:$0x3FAA]  }
0x2e: {  	s3 =	simm.s32 @!p0 $0x1082;
	s9 =	sld [smem:$0x3FAB]  }
0x2f: {  	lr =	sadd.s32 s0, s3;
	s0 =	sld [smem:$0x3FA2]  }
0x30: {  	s3 =	sld [smem:$0x3FA5]  }
0x31: {  	[smem:$0x3FAE] =	sst s10  }
0x32: {  	s10 =	sld [smem:$0x3FAC];
	_ =	sdelay $0x3  }
0x33: {  	p0 =	seq.s32 s10, $0x1;
	s10 =	sld [smem:$0x3FAE];
	_ =	sdelay $0x3  }
0x34: {  	[smem:$0x3FAE] =	sst s10  }
0x35: {  	s10 =	sld [smem:$0x3FAD];
	_ =	sdelay $0x3  }
0x36: {  	p1 =	seq.s32 s10, $0x1;
	s10 =	sld [smem:$0x3FAE];
	_ =	sdelay $0x3  }
0x37: {  	[smem:$0x3FAE] =	sst s10  }
0x38: {  	s10 =	sld [smem:$0x3FAF]  }
0x39: {  	_ = 	snop;
	(pc) =	sbr.ind lr, $3  }
0x3a: {  	_ = 	snop  }
0x3b: {  	_ = 	snop  }
0x3c: {  	p2 =	seq.s32 s10, $0x1;
	s10 =	sld [smem:$0x3FAE]  }
0x3d: {  	_ =	shalt  }
0x3e: {  	_ =	shalt  }
0x3f: {  	_ =	shalt  }
0x40: {  	_ =	shalt  }
0x41: {  	_ =	shalt  }
0x42: {  	_ =	shalt  }
0x43: {  	_ =	shalt  }
0x44: {  	_ =	shalt  }
0x45: {  	_ =	shalt  }
0x46: {  	_ =	shalt  }
0x47: {  	_ =	shalt  }
0x48: {  	_ =	shalt  }
0x49: {  	_ =	shalt  }
0x4a: {  	_ =	shalt  }
0x4b: {  	_ =	shalt  }
0x4c: {  	_ =	shalt  }
0x4d: {  	_ =	shalt  }
0x4e: {  	_ =	shalt  }
0x4f: {  	_ =	shalt  }
0x50: {  	_ =	shalt  }
0x51: {  	_ =	shalt  }
0x52: {  	_ =	shalt  }
0x53: {  	_ =	shalt  }
0x54: {  	_ =	shalt  }
0x55: {  	_ =	shalt  }
0x56: {  	_ =	shalt  }
0x57: {  	_ =	shalt  }
0x58: {  	_ =	shalt  }
0x59: {  	_ =	shalt  }
0x5a: {  	_ =	shalt  }
0x5b: {  	_ =	shalt  }
0x5c: {  	_ =	shalt  }
0x5d: {  	_ =	shalt  }
0x5e: {  	_ =	shalt  }
0x5f: {  	_ =	shalt  }
0x60: {  	_ =	shalt  }
0x61: {  	_ =	shalt  }
0x62: {  	_ =	shalt  }
0x63: {  	_ =	shalt  }
0x64: {  	_ =	shalt  }
0x65: {  	_ =	shalt  }
0x66: {  	_ =	shalt  }
0x67: {  	_ =	shalt  }
0x68: {  	_ =	shalt  }
0x69: {  	_ =	shalt  }
0x6a: {  	_ =	shalt  }
0x6b: {  	_ =	shalt  }
0x6c: {  	_ =	shalt  }
0x6d: {  	_ =	shalt  }
0x6e: {  	_ =	shalt  }
0x6f: {  	_ =	shalt  }
0x70: {  	_ =	shalt  }
0x71: {  	_ =	shalt  }
0x72: {  	_ =	shalt  }
0x73: {  	_ =	shalt  }
0x74: {  	_ =	shalt  }
0x75: {  	_ =	shalt  }
0x76: {  	_ =	shalt  }
0x77: {  	_ =	shalt  }
0x78: {  	_ =	shalt  }
0x79: {  	_ =	shalt  }
0x7a: {  	_ =	shalt  }
0x7b: {  	_ =	shalt  }
0x7c: {  	_ =	shalt  }
0x7d: {  	_ =	shalt  }
0x7e: {  	_ =	shalt  }
0x7f: {  	_ =	shalt  }
0x80: {  	_ =	shalt  }
0x81: {  	_ =	shalt  }
0x82: {  	_ =	shalt  }
0x83: {  	_ =	shalt  }
0x84: {  	_ =	shalt  }
0x85: {  	_ =	shalt  }
0x86: {  	_ =	shalt  }
0x87: {  	_ =	shalt  }
.Lfunc_end0:
.L_simem_size_0:
called_computation_lowered:
.L_overlay_start_0:
0x88: {  	s2 =	sld [smem:$0x3FD9]  }
0x89: {  	s3 =	sld [smem:$0x3FFE];
	_ =	sdelay $0x1  }
0x8a: {  	s1 =	srdreg.scid  }
0x8b: {  	s0 =	sand.u32 $0x1, s1  }
0x8c: {  	s16 =	sshll.u32 s0, $0xA;
	s2 =	sadd.s32 s3, s2  }
0x8d: {  	s2 =	sadd.s32 s2, s16  }
0x8e: {  	[smem:$0x3FBA] =	sst s2  }
0x8f: {  	_ = 	snop  }
0x90: {  	(tm) =	ssettm $0x1  }
0x91: {  	s17 =	sld [smem:$0x3FFB];
	_ =	sdelay $0x3  }
0x92: {  	_ =	strace s17  }
0x93: {  	s2 =	sld [smem:$0x3FFC];
	_ =	sdelay $0x3  }
0x94: {  	_ =	strace s2  }
0x95: {  	s2 =	sld [smem:$0x3FFD];
	_ =	sdelay $0x3  }
0x96: {  	_ =	strace s2  }
0x97: {  	_ =	strace $0x8FFFFFFF  }
0x98: {  	s18 =	sld [smem:$0x3FDB];
	_ =	sdelay $0x1  }
0x99: {  	s19 =	simm.s32 $_scs_section_size  }
0x9a: {  	s4 =	simm.s32 $_size__tile_overlayer_lowered;
	s5 =	simm.s32 $_tile_overlayer_lowered  }
0x9b: {  	s22 =	simm.s32 $0x1BFF;
	s21 =	sshll.u32 s5, $0x1;
	s2 =	sadd.s32 s19, s18  }
0x9c: {  	s6 =	simm.s32 $0x0;
	s20 =	sshll.u32 s4, $0x1;
	s4 =	sadd.s32 s21, s2  }
0x9d: {  	[timem:s6], [sflag:s22] =	dma.local [hbm:s4], s20  }
0x9e: {  	_ =	swait.ge [sflag:s22], s20  }
0x9f: {  	s3 =	ssub.s32 $0x0, s20;
	[sflag:s22] =	ssyncset.done $0x0  }
0xa0: {  	[sflag:s22] =	ssyncadd.s32 s3;
	_ =	sdelay $0x1  }
0xa1: {  	s23 =	simm.s32 $0x1B8B  }
0xa2: {  	_ =	swait.ge [sflag:s23], $0x1  }
0xa3: {  	[sflag:s23] =	ssyncset.done $0x0  }
0xa4: {  	s25 =	simm.s32 $0x1B8E;
	s24 =	sld [smem:$0x3FFE];
	[sflag:s23] =	ssyncadd.s32 $0xFFFFFFFF  }
0xa5: {  	s26 =	simm.s32 $execute0_lowered;
	[smem:$0x3FD2] =	sst s25  }
0xa6: {  	s4 =	sshll.u32 s26, $0x1;
	_ =	strace $0x80000046;
	[dreg:$0x1] =	wrdreg $0xFFFFFFFF  }
0xa7: {  	s28 =	simm.s32 $_size_execute0_lowered;
	s2 =	sadd.s32 s2, s4;
	[dreg:$0x0] =	wrdreg $0x0  }
0xa8: {  	s4 =	sshll.u32 s28, $0x1;
	[dreg:$0x2] =	wrdreg s2  }
0xa9: {  	[dreg:$0x3] =	wrdreg s4  }
0xaa: {  	[dreg:$0x4] =	wrdreg $0xC0  }
0xab: {  	_ =	task [dreg:s6], $0x5FFFF  }
0xac: {  	[dreg:$0x1] =	wrdreg $0xFFFFFFFF  }
0xad: {  	[dreg:$0x0] =	wrdreg $0x60  }
0xae: {  	[dreg:$0x2] =	wrdreg s24  }
0xaf: {  	[dreg:$0x3] =	wrdreg $0x68000  }
0xb0: {  	[dreg:$0x4] =	wrdreg $0x9  }
0xb1: {  	_ =	task.clear_ibuf [dreg:s6], $0x5FFFF;
	_ =	strace $0x90000046  }
0xb2: {  	s29 =	simm.s32 $0x9;
	_ =	strace $0x80000048  }
0xb3: {  	_ =	swait.ge [sflag:s29], $0x1  }
0xb4: {  	[sflag:s29] =	ssyncadd.s32 $0xFFFFFFFF  }
0xb5: {  	_ =	strace $0x90000048  }
0xb6: {  	_ =	sfence  }
0xb7: {  	s30 =	sld [smem:$0x0];
	_ =	sdelay $0x2  }
0xb8: {  	s31 =	sshll.u32 s1, $0xD;
	s1 =	sshrl.u32 s1, $0x2  }
0xb9: {  	s3 =	sand.u32 $0x4000, s31;
	s1 =	sadd.s32 s1, s30  }
0xba: {  	s0 =	sor.u32 s3, s0;
	s1 =	sshll.u32 s1, $0x11  }
0xbb: {  	s0 =	sor.u32 s1, s0  }
0xbc: {  	s0 =	sadd.s32 $0x8F2B, s0  }
0xbd: {  	[sflag:s0] =	ssyncadd.remote.s32 $0x1  }
0xbe: {  	_ =	sfence.sel $0xFFFF  }
0xbf: {  	[dreg:$0x0] =	wrdreg $0xFFFFFFFF;
	(pc) =	sbr.abs _section_cstart, $3  }
0xc0: {  	[dreg:$0x1] =	wrdreg $0xFFFFFFFF  }
0xc1: {  	_ =	task.clear_ibuf [dreg:s6], $0x2FFFF;
	_ =	strace $0x9FFFFFFF  }
0xc2: {  	(tm) =	ssettm $0x7FFFFFFF  }
0xc3: {  	_ =	shalt  }
tec
execute0_lowered:
.L_overlay_start_1:
0x0: {  	(tag) =	ssettag $0x1  }
0x1: {  	s1 =	srdreg.scid  }
0x2: {  	s0 =	stileid.u32;
	s6 =	rddreg [dreg:$0x0]  }
0x3: {  	s2 =	rddreg [dreg:$0x1];
	s3 =	simm.s32 $0x0;
	s14 =	simm.s32 $0x80  }
0x4: {  	s15 =	simm.s32 $0x5000;
	s16 =	simm.s32 $0x1;
	s17 =	simm.s32 $0x0  }
0x5: {  	s5 =	sand.u32 $0x1, s1;
	s28 =	sshll.u32 s0, $0x1;
	s8 =	smul.u32 $0x7680, s0  }
0x6: {  	[smem:$0x7FF] =	sst s3;
	s4 =	sadd.s32 $0x2400, s6;
	s31 =	sshll.u32 s0, $0x6  }
0x7: {  	s1 =	sor.u32 s5, s28;
	s9 =	smul.u32 $0x76800, s5;
	s5 =	ssub.s32 $0x2, s5  }
0x8: {  	s7 =	smul.u32 $0x500, s1;
	s1 =	rddreg [dreg:$0x2];
	_ =	strace $0x80000047  }
0x9: {  	s30 =	sshrl.u32 s8, $0x3;
	s11 =	sshrl.u32 s5, $0x1;
	s13 =	sadd.s32 s8, s2  }
0xa: {  	s29 =	sadd.s32 s8, s9;
	s9 =	sadd.s32 s30, s6;
	s11 =	ssub.s32 s5, s11  }
0xb: {  	s10 =	sadd.s32 s7, s6;
	s7 =	sshrl.u32 s29, $0x3;
	s5 =	sadd.s32 $0x25200, s9  }
0xc: {  	s12 =	sadd.s32 s7, s6;
	s6 =	sor.u32 $0x1C02, s31;
	s7 =	sadd.s32 $0x1B200, s10  }
0xd: {  	s8 =	sadd.s32 $0x11200, s10;
	s10 =	smax.u32 s11, $0x1;
	s11 =	sshrl.u32 s13, $0x3  }
0xe: {  	s13 =	simm.s32 $0x2800;
	s9 =	sadd.s32 $0x34000, s12;
	s12 =	simm.s32 $0x2  }
.LBB2_1:
0xf: {  	[spmem:s11], [sflag:s6] =	dma.local [hbm:s5], $0xED0  }
0x10: {  	_ =	swait.ge [sflag:s12], $0xED0  }
0x11: {  	[sflag:s12] =	ssyncset.done $0x0  }
0x12: {  	[sflag:s12] =	ssyncadd.s32 $0xFFFFF130  }
0x13: {  	[tilespmem:s3], [sflag:$0x2] =	stream.linear.gather [hbm4b:s7+s3], $0x2800, $0x38;
	[tilespmem:$0xDE80] =	vst v63  }
0x14: {  	_ =	swait.ge [sflag:s12], $0x2800  }
0x15: {  	[sflag:s12] =	ssyncset.done $0x0  }
0x16: {  	[sflag:s12] =	ssyncadd.s32 $0xFFFFD800  }
0x17: {  	[tilespmem:s13], [sflag:$0x2] =	stream.linear.gather [hbm4b:s8+s3], $0x2800, $0x38;
	[tilespmem:$0xDE80] =	vst v63  }
0x18: {  	_ =	swait.ge [sflag:s12], $0x2800  }
0x19: {  	[sflag:s12] =	ssyncset.done $0x0  }
0x1a: {  	[sflag:s12] =	ssyncadd.s32 $0xFFFFD800  }
0x1b: {  	s18 =	simm.s32 $0x0;
	[bflag:$0x0] =	sbarrier.arrive $0xFFFF  }
0x1c: {  	[tilespmem:s15], [sflag:$0x1] =	stream.indirect.gather [hbm4b:s4+s14], $0x30, s18, s14, $0xb8;
	[tilespmem:$0xDE80] =	vst v63  }
0x1d: {  	_ =	swait.ge [sflag:s16], $0x1800  }
0x1e: {  	[sflag:s16] =	ssyncset.done $0x0  }
0x1f: {  	s31 =	simm.s32 $0x2800;
	[sflag:s16] =	ssyncadd.s32 $0xFFFFE800  }
0x20: {  	[spmem:s2] =	stream.indirect.scatter.add.f32 [tilespmem:s15], [sflag:$0x2], $0x30, s31, s14, $0xb8;
	[tilespmem:$0xDE80] =	vst v63  }
0x21: {  	_ =	swait.ge [sflag:s12], $0x1800  }
0x22: {  	s19 =	simm.s32 $0x400;
	s18 =	simm.s32 $0x200;
	[sflag:s12] =	ssyncset.done $0x0  }
.LBB2_2:
0x23: {  	s20 =	sshra.s32 s18, $0x2  }
0x24: {  	[sflag:s12] =	ssyncadd.s32 $0xFFFFE800;
	s18 =	smov.u32 s19;
	s21 =	sadd.s32 $0x200, s19  }
0x25: {  	[tilespmem:s15], [sflag:$0x1] =	stream.indirect.gather [hbm4b:s4+s14], $0x30, s20, s14, $0xb8;
	[tilespmem:$0xDE80] =	vst v63  }
0x26: {  	p0 =	sne.s32 s19, $0x9E00;
	_ =	swait.ge [sflag:s16], $0x1800  }
.Ltmp0:
0x27: {  	[sflag:s16] =	ssyncset.done $0x0;
	(pc) =	sbr.rel @p0 .LBB2_2-.Ltmp0, $4  }
0x28: {  	s19 =	sadd.s32 $0x2800, s20;
	[sflag:s16] =	ssyncadd.s32 $0xFFFFE800  }
0x29: {  	[spmem:s2] =	stream.indirect.scatter.add.f32 [tilespmem:s15], [sflag:$0x2], $0x30, s19, s14, $0xb8;
	[tilespmem:$0xDE80] =	vst v63  }
0x2a: {  	_ =	swait.ge [sflag:s12], $0x1800  }
0x2b: {  	s19 =	smov.u32 s21;
	[sflag:s12] =	ssyncset.done $0x0  }
0x2c: {  	s18 =	sshra.s32 s18, $0x2;
	[sflag:s12] =	ssyncadd.s32 $0xFFFFE800  }
0x2d: {  	[tilespmem:s15], [sflag:$0x1] =	stream.indirect.gather [hbm4b:s4+s14], $0x30, s18, s14, $0xb8;
	[tilespmem:$0xDE80] =	vst v63  }
0x2e: {  	_ =	swait.ge [sflag:s16], $0x1800  }
0x2f: {  	[sflag:s16] =	ssyncset.done $0x0  }
0x30: {  	s18 =	sadd.s32 $0x2800, s18;
	[sflag:s16] =	ssyncadd.s32 $0xFFFFE800  }
0x31: {  	[spmem:s2] =	stream.indirect.scatter.add.f32 [tilespmem:s15], [sflag:$0x2], $0x30, s18, s14, $0xb8;
	[tilespmem:$0xDE80] =	vst v63  }
0x32: {  	_ =	swait.ge [sflag:s12], $0x1800  }
0x33: {  	s17 =	sadd.s32 $0x1, s17;
	[sflag:s12] =	ssyncset.done $0x0  }
0x34: {  	p0 =	sne.s32 s17, s10;
	[sflag:s12] =	ssyncadd.s32 $0xFFFFE800  }
.Ltmp1:
0x35: {  	[bflag:$0x0] =	sbarrier.arrive $0xFFFF;
	(pc) =	sbr.rel @p0 .LBB2_1-.Ltmp1, $4  }
0x36: {  	[hbm:s9], [sflag:s6] =	dma.local [spmem:s11], $0xED0  }
0x37: {  	_ =	swait.ge [sflag:s12], $0xED0  }
0x38: {  	[sflag:s12] =	ssyncset.done $0x0  }
0x39: {  	[sflag:s12] =	ssyncadd.s32 $0xFFFFF130  }
0x3a: {  	_ =	sfence.sel $0x180000  }
0x3b: {  	[bflag:$0x0] =	sbarrier.arrive $0xFFFF  }
0x3c: {  	p0 =	sne.s32 s0, $0x0;
	_ =	strace $0x90000047  }
0x3d: {  	s0 =	sadd.s32 @!p0 $0x100000, s1;
	[bflag:$0x2] =	sbarrier.arrive $0xFFFF  }
0x3e: {  	[sflag:s0] =	ssyncadd.tile.s32 @!p0 $0x1;
	_ =	shalt  }
.Lfunc_end2:
_tile_overlayer_lowered:
.L_overlay_start_2:
0x3f: {  	(tag) =	ssettag $0x2  }
0x40: {  	s0 =	rddreg [dreg:$0x0];
	s2 =	stileid.u32  }
0x41: {  	s1 =	rddreg [dreg:$0x1];
	p0 =	sne.s32 s2, $0x0  }
0x42: {  	s3 =	rddreg [dreg:$0x2];
	[bflag:$0x3] =	sbarrier.arrive $0xFFFF;
	s2 =	simm.s32 @!p0 $0x1C02  }
0x43: {  	[timem:s3], [sflag:s2] =	dma.local @!p0 [hbm:s0], s1  }
0x44: {  	s0 =	simm.s32 @!p0 $0x2  }
0x45: {  	_ =	swait.ge @!p0 [sflag:s0], s1  }
0x46: {  	s1 =	ssub.s32 @!p0 $0x0, s1;
	[sflag:s0] =	ssyncset.done @!p0 $0x0  }
0x47: {  	[sflag:s0] =	ssyncadd.s32 @!p0 s1  }
0x48: {  	[bflag:$0x3] =	sbarrier.arrive $0xFFFF  }
0x49: {  	_ =	shalt  }

</sc_bundles>
